<compile_context>
chip_gen: v7x
topology: tpu7x:2x2x1
jax: 0.10.2.dev20260603
libtpu: 0.0.44.dev20260713+nightly
codegen_flags: <defaults>
</compile_context>

<pallas_src>
import jax
import jax.numpy as jnp
from jax import lax
from jax.experimental import pallas as pl
from jax.experimental.pallas import tpu as pltpu
from jax.experimental.pallas import tpu_sc as plsc

_B, _T, _V, _L = 4, 256, 16, 8
_N = 40
_NC, _NS = 2, 16
_NW = _NC * _NS
_PAIRS_PER_W = (_B * _V) // _NW


_DNUMS = lax.GatherDimensionNumbers(
    offset_dims=(), collapsed_slice_dims=(0,), start_index_map=(0,))


def _take(vec, idx):
    return lax.gather(vec, idx[:, None], _DNUMS, (1,),
                      mode=lax.GatherScatterMode.PROMISE_IN_BOUNDS)


def _sc_body(srl_hbm, vn_hbm, vlab_hbm, sll_hbm, sem_hbm, vl_hbm, ol_hbm,
             out_hbm, vlab_v, sll_v, sem_v, vl_v, ol_v, ids_v, rows_v, res_v, sem, sem2):
    wid = lax.axis_index("s") * _NC + lax.axis_index("c")
    iota = lax.iota(jnp.int32, 16)
    pair0 = wid * _PAIRS_PER_W
    b = pair0 // _V
    v0 = pair0 - b * _V

    stage_a = [
        pltpu.async_copy(vlab_hbm.at[b], vlab_v, sem2),
        pltpu.async_copy(sem_hbm.at[b], sem_v, sem2),
    ]
    stage_b = [
        pltpu.async_copy(sll_hbm.at[b], sll_v, sem),
        pltpu.async_copy(vl_hbm, vl_v.at[pl.ds(0, _B)], sem),
        pltpu.async_copy(ol_hbm, ol_v.at[pl.ds(0, _B)], sem),
    ]
    for c in stage_a:
        c.wait()

    j_u = iota // 8
    l_u = iota - j_u * 8
    v0vec = jnp.full((16,), v0, jnp.int32)
    sr0 = plsc.load_gather(sem_v, [j_u, l_u, v0vec])
    sr1 = plsc.load_gather(sem_v, [j_u, l_u, v0vec + 1])
    vlab0 = plsc.load_gather(vlab_v, [v0vec])[0]
    vlab1 = plsc.load_gather(vlab_v, [v0vec + 1])[0]

    rvec = jnp.where(iota < 8, _take(sr0, l_u), _take(sr1, l_u))
    avec = jnp.where(iota < 8, _take(sr0, l_u + 8), _take(sr1, l_u + 8))
    rm_u = (rvec != 0).astype(jnp.float32)
    am_u = (avec != 0).astype(jnp.float32)
    xoff_u = (iota + j_u * 8) * _T

    for c in stage_b:
        c.wait()
    bvec = jnp.full((16,), b, jnp.int32)
    oln = plsc.load_gather(ol_v, [bvec])[0]
    vl_b = plsc.load_gather(vl_v, [bvec])[0]
    olv = ol_v[...]
    nrm = olv[0] + olv[1] + olv[2] + olv[3]
    inv_vec = 1.0 / jnp.full((16,), nrm.astype(jnp.float32))
    sll0 = plsc.load_gather(sll_v, [v0vec])[0]
    sll1 = plsc.load_gather(sll_v, [v0vec + 1])[0]
    sll_u = jnp.where(iota < 8, jnp.full((16,), sll0, jnp.int32),
                      jnp.full((16,), sll1, jnp.int32))
    use_u = (l_u < sll_u) & (v0 + j_u < vl_b) & ((rvec != 0) | (avec != 0))
    nfull = oln // 16
    cp = nfull
    has_p = (oln - nfull * 16) != 0
    pf_u = jnp.where(use_u & has_p, jnp.full((16,), 1.0, jnp.float32), 0.0)
    tmask_p = (cp * 16 + iota < oln).astype(jnp.float32)
    po = pl.multiple_of(cp * 16, 16)
    plsc.store_compressed(ids_v.at[pl.ds(0, 16)], iota, mask=use_u)
    n_act = plsc.all_reduce_population_count(use_u)[0]

    def fire(k, _):
        kvec = jnp.full((16,), k, jnp.int32)
        uvec = plsc.load_gather(ids_v, [kvec])
        r = _take(rvec, uvec)[0]
        a = _take(avec, uvec)[0]
        off = pl.multiple_of(_take(xoff_u, uvec)[0], _T)
        vlab = jnp.where(uvec[0] < 8, vlab0, vlab1)
        pltpu.async_copy(srl_hbm.at[b, vlab, r],
                         rows_v.at[pl.ds(off, _T)], sem)
        pltpu.async_copy(vn_hbm.at[b, vlab, a],
                         rows_v.at[pl.ds(off + _L * _T, _T)], sem)
        return 0

    lax.fori_loop(0, n_act, fire, 0)


    def drain(i, _):
        pltpu.make_async_copy(srl_hbm.at[0, 0, 0],
                              rows_v.at[pl.ds(0, _T)], sem).wait()
        return 0

    lax.fori_loop(0, 2 * n_act, drain, 0)

    def u_body(k, tot):
        kvec = jnp.full((16,), k, jnp.int32)
        uvec = plsc.load_gather(ids_v, [kvec])
        trip = nfull
        rm = _take(rm_u, uvec)[0]
        am = _take(am_u, uvec)[0]
        pf = _take(pf_u, uvec)[0]
        xo = pl.multiple_of(_take(xoff_u, uvec)[0], _T)
        yo = xo + _L * _T

        def chunk2(c, acc):
            x0 = rows_v[pl.ds(xo + c * 32, 16)] * rm
            y0 = rows_v[pl.ds(yo + c * 32, 16)] * am
            x1 = rows_v[pl.ds(xo + c * 32 + 16, 16)] * rm
            y1 = rows_v[pl.ds(yo + c * 32 + 16, 16)] * am
            return acc + jnp.abs(x0 - y0) + jnp.abs(x1 - y1)

        tot = lax.fori_loop(0, trip // 2, chunk2, tot)
        lo = pl.multiple_of(jnp.maximum(trip - 1, 0) * 16, 16)
        lf = (trip - (trip // 2) * 2).astype(jnp.float32)
        xl = rows_v[pl.ds(xo + lo, 16)] * rm
        yl = rows_v[pl.ds(yo + lo, 16)] * am
        tot = tot + jnp.abs(xl - yl) * lf
        xp = rows_v[pl.ds(xo + po, 16)] * rm
        yp = rows_v[pl.ds(yo + po, 16)] * am
        return tot + jnp.abs(xp - yp) * (tmask_p * pf)

    total = lax.fori_loop(0, n_act, u_body, jnp.zeros((16,), jnp.float32))

    res_v[...] = total * inv_vec
    pltpu.sync_copy(res_v, out_hbm.at[wid])


def kernel(log_srl, log_vn, v_label, v_l, orig_l, semlink, semlink_l):
    srl_t = jnp.transpose(log_srl, (0, 1, 3, 2))
    vn_t = jnp.transpose(log_vn, (0, 1, 3, 2))
    sem_t = jnp.transpose(semlink.astype(jnp.int32), (0, 2, 3, 1))

    sc_call = pl.kernel(
        _sc_body,
        out_type=jax.ShapeDtypeStruct((_NW, 16), jnp.float32),
        mesh=plsc.VectorSubcoreMesh(core_axis_name="c", subcore_axis_name="s"),
        scratch_types=[
            pltpu.VMEM((_V,), jnp.int32),
            pltpu.VMEM((_V,), jnp.int32),
            pltpu.VMEM((2, _L, _V), jnp.int32),
            pltpu.VMEM((16,), jnp.int32),
            pltpu.VMEM((16,), jnp.int32),
            pltpu.VMEM((16,), jnp.int32),
            pltpu.VMEM((2 * 2 * _L * _T + 16,), jnp.float32),
            pltpu.VMEM((16,), jnp.float32),
            pltpu.SemaphoreType.DMA,
            pltpu.SemaphoreType.DMA,
        ],
        compiler_params=pltpu.CompilerParams(
            needs_layout_passes=False,
            use_tc_tiling_on_sc=True,
        ),
    )
    partials = sc_call(srl_t, vn_t,
                       v_label.astype(jnp.int32), semlink_l.astype(jnp.int32),
                       sem_t, v_l.astype(jnp.int32), orig_l.astype(jnp.int32))
    return jnp.sum(partials)

# --- scband reference (transcript-rebuilt; emitter-appended) ---
"""Pipeline reference for scband-semlink-loss-32899449487485 (READ-ONLY COPY).

The authoritative reference and input builder live on the scoring server;
editing this copy changes nothing except your own understanding.
"""

import jax, jax.numpy as jnp
import numpy as np

B, T, V, L = 4, 256, 16, 8
N_SRL, N_VN = 40, 40


def setup_inputs(seed: int = 0) -> dict:
    key = jax.random.key(seed)
    ks = jax.random.split(key, 8)
    # log-probability tensors over label vocabularies: [B, T(predicate pos), T(token pos), n_labels]
    log_srl = jax.nn.log_softmax(jax.random.normal(ks[0], (B, T, T, N_SRL), dtype=jnp.float32), axis=-1)
    log_vn = jax.nn.log_softmax(jax.random.normal(ks[1], (B, T, T, N_VN), dtype=jnp.float32), axis=-1)
    v_label = jax.random.randint(ks[2], (B, V), 0, T)          # predicate token positions
    v_l = jax.random.randint(ks[3], (B,), 1, V + 1)            # number of predicates per example
    orig_l = jax.random.randint(ks[4], (B,), T // 2, T + 1)    # original sequence lengths
    semlink = jax.random.randint(ks[5], (B, V, 2, L), 0, min(N_SRL, N_VN))  # [.,.,0,:]=srl role ids, [.,.,1,:]=vn role ids
    semlink_l = jax.random.randint(ks[6], (B, V), 0, L + 1)    # semlink constraint lengths (0 => no constraint)
    return {"log_srl": log_srl, "log_vn": log_vn, "v_label": v_label, "v_l": v_l,
            "orig_l": orig_l, "semlink": semlink, "semlink_l": semlink_l}


def _batch_index1_select(content, idx, nul_idx=0):
    # content: [P, C, Tl]; idx: [P, Lk] -> out[p, j, t] = content[p, idx[p, j], t], zeroed where idx == nul_idx
    P = content.shape[0]
    sel = content[jnp.arange(P)[:, None], idx]  # [P, Lk, Tl]
    nul_mask = (idx != nul_idx).astype(content.dtype)[:, :, None]
    return sel * nul_mask


def reference(log_srl, log_vn, v_label, v_l, orig_l, semlink, semlink_l):
    loss = jnp.zeros((), dtype=log_srl.dtype)
    for i in range(B):
        v_mask = (jnp.arange(V) < v_l[i]).astype(log_srl.dtype)          # [V]
        tok_mask = (jnp.arange(T) < orig_l[i]).astype(log_srl.dtype)     # [T]
        semlink_l_i = semlink_l[i]
        # len_to_mask
        semlink_mask_i = (jnp.arange(L)[None, :] < semlink_l_i[:, None]).astype(log_srl.dtype)
        semlink_r_i = semlink[i, :, 0, :]
        semlink_a_i = semlink[i, :, 1, :]
        v_i = v_label[i]
        log_srl_i = log_srl[i, v_i]   # [V, T, N_SRL]
        log_vn_i = log_vn[i, v_i]     # [V, T, N_VN]
        srl_c = jnp.transpose(log_srl_i, (0, 2, 1))  # [V, N_SRL, T]
        vn_c = jnp.transpose(log_vn_i, (0, 2, 1))    # [V, N_VN, T]
        log_semlink_r_i = _batch_index1_select(srl_c, semlink_r_i, nul_idx=0)  # [V, L, T]
        log_semlink_a_i = _batch_index1_select(vn_c, semlink_a_i, nul_idx=0)   # [V, L, T]
        loss_i = jnp.abs(log_semlink_r_i - log_semlink_a_i)
        loss_i = loss_i * semlink_mask_i[:, :, None] * v_mask[:, None, None] * tok_mask[None, None, :]
        loss = loss + loss_i.sum()
    # opt.use_gold_predicate == 0 branch: normalize by total original sequence length
    normalizer = jnp.sum(orig_l).astype(log_srl.dtype)
    return loss / normalizer

if __name__ == "__main__":
    import jax
    _d = setup_inputs()
    print(jax.jit(kernel)(*tuple(_d.values())))

</pallas_src>

<mosaic_0001>
#map = affine_map<(d0, d1) -> (0, 0, 0, 0)>
#map1 = affine_map<(d0, d1) -> (0, 0)>
#map2 = affine_map<(d0, d1) -> (0)>
module attributes {stable_mosaic.version = 14 : i64} {
  func.func @_sc_body(%arg0: i32, %arg1: i32, %arg2: memref<4x256x40x256xf32, #tpu.memory_space<hbm>>, %arg3: memref<4x256x40x256xf32, #tpu.memory_space<hbm>>, %arg4: memref<4x16xi32, #tpu.memory_space<hbm>>, %arg5: memref<4x16xi32, #tpu.memory_space<hbm>>, %arg6: memref<4x2x8x16xi32, #tpu.memory_space<hbm>>, %arg7: memref<4xi32, #tpu.memory_space<hbm>>, %arg8: memref<4xi32, #tpu.memory_space<hbm>>, %arg9: memref<32x16xf32, #tpu.memory_space<hbm>>, %arg10: memref<16xi32, #tpu.memory_space<vmem>>, %arg11: memref<16xi32, #tpu.memory_space<vmem>>, %arg12: memref<2x8x16xi32, #tpu.memory_space<vmem>>, %arg13: memref<16xi32, #tpu.memory_space<vmem>>, %arg14: memref<16xi32, #tpu.memory_space<vmem>>, %arg15: memref<16xi32, #tpu.memory_space<vmem>>, %arg16: memref<8208xf32, #tpu.memory_space<vmem>>, %arg17: memref<16xf32, #tpu.memory_space<vmem>>, %arg18: memref<!tpu.dma_semaphore, #tpu.memory_space<semaphore_mem>>, %arg19: memref<!tpu.dma_semaphore, #tpu.memory_space<semaphore_mem>>) attributes {dimension_semantics = [#tpu.dimension_semantics<core_parallel>, #tpu.dimension_semantics<subcore_parallel>], iteration_bounds = array<i64: 2, 16>, scalar_prefetch = 0 : i64, scratch_operands = 10 : i64, tpu.core_type = #tpu.core_type<sc_vector_subcore>, window_params = [{transform_indices = #map}, {transform_indices = #map}, {transform_indices = #map1}, {transform_indices = #map1}, {transform_indices = #map}, {transform_indices = #map2}, {transform_indices = #map2}, {transform_indices = #map1}]} {
    %mul3A = arith.constant 2 : i32
    %mul3A_0 = arith.muli %arg1, %mul3A : i32
    %add3A = arith.addi %mul3A_0, %arg0 : i32
    %iota3A = tpu.iota {dimensions = array<i32: 0>} : vector<16xi32>
    %mul3A_1 = arith.constant 2 : i32
    %mul3A_2 = arith.muli %add3A, %mul3A_1 : i32
    %jit3A = arith.constant 16 : i32
    %div3A = arith.divsi %mul3A_2, %jit3A : i32
    %sign3A = arith.constant 0 : i32
    %sign3A_3 = arith.cmpi sgt, %mul3A_2, %sign3A : i32
    %sign3A_4 = arith.extui %sign3A_3 : i1 to i32
    %sign3A_5 = arith.constant 0 : i32
    %sign3A_6 = arith.cmpi slt, %mul3A_2, %sign3A_5 : i32
    %sign3A_7 = arith.extui %sign3A_6 : i1 to i32
    %sign3A_8 = arith.subi %sign3A_4, %sign3A_7 : i32
    %sign3A_9 = arith.constant 0 : i32
    %sign3A_10 = arith.cmpi sgt, %jit3A, %sign3A_9 : i32
    %sign3A_11 = arith.extui %sign3A_10 : i1 to i32
    %sign3A_12 = arith.constant 0 : i32
    %sign3A_13 = arith.cmpi slt, %jit3A, %sign3A_12 : i32
    %sign3A_14 = arith.extui %sign3A_13 : i1 to i32
    %sign3A_15 = arith.subi %sign3A_11, %sign3A_14 : i32
    %ne3A = arith.cmpi ne, %sign3A_8, %sign3A_15 : i32
    %rem3A = arith.remsi %mul3A_2, %jit3A : i32
    %ne3A_16 = arith.constant 0 : i32
    %ne3A_17 = arith.cmpi ne, %rem3A, %ne3A_16 : i32
    %and3A = arith.andi %ne3A, %ne3A_17 : i1
    %sub3A = arith.constant 1 : i32
    %sub3A_18 = arith.subi %div3A, %sub3A : i32
    %select_n3A = arith.select %and3A, %sub3A_18, %div3A : i32
    %mul3A_19 = arith.constant 16 : i32
    %mul3A_20 = arith.muli %select_n3A, %mul3A_19 : i32
    %sub3A_21 = arith.subi %mul3A_2, %mul3A_20 : i32
    %dma_start3A = arith.constant 0 : i32
    %dma_start3A_22 = tpu.memref_slice %arg4[%select_n3A, %dma_start3A] : memref<4x16xi32, #tpu.memory_space<hbm>> -> memref<1x16xi32, #tpu.memory_space<hbm>>
    %dma_start3A_23 = tpu.memref_squeeze %dma_start3A_22 : memref<1x16xi32, #tpu.memory_space<hbm>> -> memref<16xi32, #tpu.memory_space<hbm>>
    %dma_start3A_24 = arith.constant 0 : i32
    %dma_start3A_25 = tpu.memref_slice %arg4[%select_n3A, %dma_start3A_24] : memref<4x16xi32, #tpu.memory_space<hbm>> -> memref<1x16xi32, #tpu.memory_space<hbm>>
    %dma_start3A_26 = tpu.memref_squeeze %dma_start3A_25 : memref<1x16xi32, #tpu.memory_space<hbm>> -> memref<16xi32, #tpu.memory_space<hbm>>
    tpu.enqueue_dma source(%dma_start3A_26 : memref<16xi32, #tpu.memory_space<hbm>>) target(%arg10 : memref<16xi32, #tpu.memory_space<vmem>>) target_semaphore(%arg19 : memref<!tpu.dma_semaphore, #tpu.memory_space<semaphore_mem>>)
    %dma_start3A_27 = arith.constant 0 : i32
    %dma_start3A_28 = arith.constant 0 : i32
    %dma_start3A_29 = arith.constant 0 : i32
    %dma_start3A_30 = tpu.memref_slice %arg6[%select_n3A, %dma_start3A_27, %dma_start3A_28, %dma_start3A_29] : memref<4x2x8x16xi32, #tpu.memory_space<hbm>> -> memref<1x2x8x16xi32, #tpu.memory_space<hbm>>
    %dma_start3A_31 = tpu.memref_squeeze %dma_start3A_30 : memref<1x2x8x16xi32, #tpu.memory_space<hbm>> -> memref<2x8x16xi32, #tpu.memory_space<hbm>>
    %dma_start3A_32 = arith.constant 0 : i32
    %dma_start3A_33 = arith.constant 0 : i32
    %dma_start3A_34 = arith.constant 0 : i32
    %dma_start3A_35 = tpu.memref_slice %arg6[%select_n3A, %dma_start3A_32, %dma_start3A_33, %dma_start3A_34] : memref<4x2x8x16xi32, #tpu.memory_space<hbm>> -> memref<1x2x8x16xi32, #tpu.memory_space<hbm>>
    %dma_start3A_36 = tpu.memref_squeeze %dma_start3A_35 : memref<1x2x8x16xi32, #tpu.memory_space<hbm>> -> memref<2x8x16xi32, #tpu.memory_space<hbm>>
    tpu.enqueue_dma source(%dma_start3A_36 : memref<2x8x16xi32, #tpu.memory_space<hbm>>) target(%arg12 : memref<2x8x16xi32, #tpu.memory_space<vmem>>) target_semaphore(%arg19 : memref<!tpu.dma_semaphore, #tpu.memory_space<semaphore_mem>>)
    %dma_start3A_37 = arith.constant 0 : i32
    %dma_start3A_38 = tpu.memref_slice %arg5[%select_n3A, %dma_start3A_37] : memref<4x16xi32, #tpu.memory_space<hbm>> -> memref<1x16xi32, #tpu.memory_space<hbm>>
    %dma_start3A_39 = tpu.memref_squeeze %dma_start3A_38 : memref<1x16xi32, #tpu.memory_space<hbm>> -> memref<16xi32, #tpu.memory_space<hbm>>
    %dma_start3A_40 = arith.constant 0 : i32
    %dma_start3A_41 = tpu.memref_slice %arg5[%select_n3A, %dma_start3A_40] : memref<4x16xi32, #tpu.memory_space<hbm>> -> memref<1x16xi32, #tpu.memory_space<hbm>>
    %dma_start3A_42 = tpu.memref_squeeze %dma_start3A_41 : memref<1x16xi32, #tpu.memory_space<hbm>> -> memref<16xi32, #tpu.memory_space<hbm>>
    tpu.enqueue_dma source(%dma_start3A_42 : memref<16xi32, #tpu.memory_space<hbm>>) target(%arg11 : memref<16xi32, #tpu.memory_space<vmem>>) target_semaphore(%arg18 : memref<!tpu.dma_semaphore, #tpu.memory_space<semaphore_mem>>)
    %dma_start3A_43 = arith.constant 0 : i32
    %dma_start3A_44 = tpu.memref_slice %arg13[%dma_start3A_43] : memref<16xi32, #tpu.memory_space<vmem>> -> memref<4xi32, #tpu.memory_space<vmem>>
    %dma_start3A_45 = arith.constant 0 : i32
    %dma_start3A_46 = tpu.memref_slice %arg13[%dma_start3A_45] : memref<16xi32, #tpu.memory_space<vmem>> -> memref<4xi32, #tpu.memory_space<vmem>>
    tpu.enqueue_dma source(%arg7 : memref<4xi32, #tpu.memory_space<hbm>>) target(%dma_start3A_46 : memref<4xi32, #tpu.memory_space<vmem>>) target_semaphore(%arg18 : memref<!tpu.dma_semaphore, #tpu.memory_space<semaphore_mem>>)
    %dma_start3A_47 = arith.constant 0 : i32
    %dma_start3A_48 = tpu.memref_slice %arg14[%dma_start3A_47] : memref<16xi32, #tpu.memory_space<vmem>> -> memref<4xi32, #tpu.memory_space<vmem>>
    %dma_start3A_49 = arith.constant 0 : i32
    %dma_start3A_50 = tpu.memref_slice %arg14[%dma_start3A_49] : memref<16xi32, #tpu.memory_space<vmem>> -> memref<4xi32, #tpu.memory_space<vmem>>
    tpu.enqueue_dma source(%arg8 : memref<4xi32, #tpu.memory_space<hbm>>) target(%dma_start3A_50 : memref<4xi32, #tpu.memory_space<vmem>>) target_semaphore(%arg18 : memref<!tpu.dma_semaphore, #tpu.memory_space<semaphore_mem>>)
    %dma_wait3A = arith.constant 0 : i32
    %dma_wait3A_51 = tpu.memref_slice %arg4[%select_n3A, %dma_wait3A] : memref<4x16xi32, #tpu.memory_space<hbm>> -> memref<1x16xi32, #tpu.memory_space<hbm>>
    %dma_wait3A_52 = tpu.memref_squeeze %dma_wait3A_51 : memref<1x16xi32, #tpu.memory_space<hbm>> -> memref<16xi32, #tpu.memory_space<hbm>>
    %dma_wait3A_53 = arith.constant 0 : i32
    %dma_wait3A_54 = tpu.memref_slice %arg4[%select_n3A, %dma_wait3A_53] : memref<4x16xi32, #tpu.memory_space<hbm>> -> memref<1x16xi32, #tpu.memory_space<hbm>>
    %dma_wait3A_55 = tpu.memref_squeeze %dma_wait3A_54 : memref<1x16xi32, #tpu.memory_space<hbm>> -> memref<16xi32, #tpu.memory_space<hbm>>
    tpu.wait_dma2 semaphore(%arg19 : memref<!tpu.dma_semaphore, #tpu.memory_space<semaphore_mem>>) src(%dma_wait3A_55 : memref<16xi32, #tpu.memory_space<hbm>>) dst(%arg10 : memref<16xi32, #tpu.memory_space<vmem>>)
    %dma_wait3A_56 = arith.constant 0 : i32
    %dma_wait3A_57 = arith.constant 0 : i32
    %dma_wait3A_58 = arith.constant 0 : i32
    %dma_wait3A_59 = tpu.memref_slice %arg6[%select_n3A, %dma_wait3A_56, %dma_wait3A_57, %dma_wait3A_58] : memref<4x2x8x16xi32, #tpu.memory_space<hbm>> -> memref<1x2x8x16xi32, #tpu.memory_space<hbm>>
    %dma_wait3A_60 = tpu.memref_squeeze %dma_wait3A_59 : memref<1x2x8x16xi32, #tpu.memory_space<hbm>> -> memref<2x8x16xi32, #tpu.memory_space<hbm>>
    %dma_wait3A_61 = arith.constant 0 : i32
    %dma_wait3A_62 = arith.constant 0 : i32
    %dma_wait3A_63 = arith.constant 0 : i32
    %dma_wait3A_64 = tpu.memref_slice %arg6[%select_n3A, %dma_wait3A_61, %dma_wait3A_62, %dma_wait3A_63] : memref<4x2x8x16xi32, #tpu.memory_space<hbm>> -> memref<1x2x8x16xi32, #tpu.memory_space<hbm>>
    %dma_wait3A_65 = tpu.memref_squeeze %dma_wait3A_64 : memref<1x2x8x16xi32, #tpu.memory_space<hbm>> -> memref<2x8x16xi32, #tpu.memory_space<hbm>>
    tpu.wait_dma2 semaphore(%arg19 : memref<!tpu.dma_semaphore, #tpu.memory_space<semaphore_mem>>) src(%dma_wait3A_65 : memref<2x8x16xi32, #tpu.memory_space<hbm>>) dst(%arg12 : memref<2x8x16xi32, #tpu.memory_space<vmem>>)
    %jit3A_66 = arith.constant 8 : i32
    %div3A_67 = vector.broadcast %jit3A_66 : i32 to vector<16xi32>
    %div3A_68 = arith.divsi %iota3A, %div3A_67 : vector<16xi32>
    %sign3A_69 = arith.constant 0 : i32
    %sign3A_70 = vector.broadcast %sign3A_69 : i32 to vector<16xi32>
    %sign3A_71 = arith.cmpi sgt, %iota3A, %sign3A_70 : vector<16xi32>
    %sign3A_72 = arith.extui %sign3A_71 : vector<16xi1> to vector<16xi32>
    %sign3A_73 = arith.constant 0 : i32
    %sign3A_74 = vector.broadcast %sign3A_73 : i32 to vector<16xi32>
    %sign3A_75 = arith.cmpi slt, %iota3A, %sign3A_74 : vector<16xi32>
    %sign3A_76 = arith.extui %sign3A_75 : vector<16xi1> to vector<16xi32>
    %sign3A_77 = arith.subi %sign3A_72, %sign3A_76 : vector<16xi32>
    %sign3A_78 = arith.constant 0 : i32
    %sign3A_79 = arith.cmpi sgt, %jit3A_66, %sign3A_78 : i32
    %sign3A_80 = arith.extui %sign3A_79 : i1 to i32
    %sign3A_81 = arith.constant 0 : i32
    %sign3A_82 = arith.cmpi slt, %jit3A_66, %sign3A_81 : i32
    %sign3A_83 = arith.extui %sign3A_82 : i1 to i32
    %sign3A_84 = arith.subi %sign3A_80, %sign3A_83 : i32
    %ne3A_85 = vector.broadcast %sign3A_84 : i32 to vector<16xi32>
    %ne3A_86 = arith.cmpi ne, %sign3A_77, %ne3A_85 : vector<16xi32>
    %rem3A_87 = vector.broadcast %jit3A_66 : i32 to vector<16xi32>
    %rem3A_88 = arith.remsi %iota3A, %rem3A_87 : vector<16xi32>
    %ne3A_89 = arith.constant 0 : i32
    %ne3A_90 = vector.broadcast %ne3A_89 : i32 to vector<16xi32>
    %ne3A_91 = arith.cmpi ne, %rem3A_88, %ne3A_90 : vector<16xi32>
    %and3A_92 = arith.andi %ne3A_86, %ne3A_91 : vector<16xi1>
    %sub3A_93 = arith.constant 1 : i32
    %sub3A_94 = vector.broadcast %sub3A_93 : i32 to vector<16xi32>
    %sub3A_95 = arith.subi %div3A_68, %sub3A_94 : vector<16xi32>
    %select_n3A_96 = arith.select %and3A_92, %sub3A_95, %div3A_68 : vector<16xi1>, vector<16xi32>
    %mul3A_97 = arith.constant 8 : i32
    %mul3A_98 = vector.broadcast %mul3A_97 : i32 to vector<16xi32>
    %mul3A_99 = arith.muli %select_n3A_96, %mul3A_98 : vector<16xi32>
    %sub3A_100 = arith.subi %iota3A, %mul3A_99 : vector<16xi32>
    %broadcast_in_dim3A = vector.broadcast %sub3A_21 : i32 to vector<16xi32>
    %gather3A = tpu.vector_load_idx %arg12[%select_n3A_96, %sub3A_100, %broadcast_in_dim3A] : memref<2x8x16xi32, #tpu.memory_space<vmem>>[vector<16xi32>, vector<16xi32>, vector<16xi32>], vector<16xi32>,
    %add3A_101 = arith.constant 1 : i32
    %add3A_102 = vector.broadcast %add3A_101 : i32 to vector<16xi32>
    %add3A_103 = arith.addi %broadcast_in_dim3A, %add3A_102 : vector<16xi32>
    %gather3A_104 = tpu.vector_load_idx %arg12[%select_n3A_96, %sub3A_100, %add3A_103] : memref<2x8x16xi32, #tpu.memory_space<vmem>>[vector<16xi32>, vector<16xi32>, vector<16xi32>], vector<16xi32>,
    %gather3A_105 = tpu.vector_load_idx %arg10[%broadcast_in_dim3A] : memref<16xi32, #tpu.memory_space<vmem>>[vector<16xi32>], vector<16xi32>,
    %slice3A = vector.extract_strided_slice %gather3A_105 {offsets = [0], sizes = [1], strides = [1]} : vector<16xi32> to vector<1xi32>
    %squeeze3A = vector.extract %slice3A[0] : i32 from vector<1xi32>
    %add3A_106 = arith.constant 1 : i32
    %add3A_107 = vector.broadcast %add3A_106 : i32 to vector<16xi32>
    %add3A_108 = arith.addi %broadcast_in_dim3A, %add3A_107 : vector<16xi32>
    %gather3A_109 = tpu.vector_load_idx %arg10[%add3A_108] : memref<16xi32, #tpu.memory_space<vmem>>[vector<16xi32>], vector<16xi32>,
    %slice3A_110 = vector.extract_strided_slice %gather3A_109 {offsets = [0], sizes = [1], strides = [1]} : vector<16xi32> to vector<1xi32>
    %squeeze3A_111 = vector.extract %slice3A_110[0] : i32 from vector<1xi32>
    %lt3A = arith.constant 8 : i32
    %lt3A_112 = vector.broadcast %lt3A : i32 to vector<16xi32>
    %lt3A_113 = arith.cmpi slt, %iota3A, %lt3A_112 : vector<16xi32>
    %broadcast_in_dim3A_114 = vector.shape_cast %sub3A_100 : vector<16xi32> to vector<16x1xi32>
    %gather3A_115 = vector.shape_cast %broadcast_in_dim3A_114 : vector<16x1xi32> to vector<16xi32>
    %gather3A_116 = tpu.dynamic_gather %gather3A[%gather3A_115] in [0] : vector<16xi32>, vector<16xi32> -> vector<16xi32>
    %broadcast_in_dim3A_117 = vector.shape_cast %sub3A_100 : vector<16xi32> to vector<16x1xi32>
    %gather3A_118 = vector.shape_cast %broadcast_in_dim3A_117 : vector<16x1xi32> to vector<16xi32>
    %gather3A_119 = tpu.dynamic_gather %gather3A_104[%gather3A_118] in [0] : vector<16xi32>, vector<16xi32> -> vector<16xi32>
    %select_n3A_120 = arith.select %lt3A_113, %gather3A_116, %gather3A_119 : vector<16xi1>, vector<16xi32>
    %lt3A_121 = arith.constant 8 : i32
    %lt3A_122 = vector.broadcast %lt3A_121 : i32 to vector<16xi32>
    %lt3A_123 = arith.cmpi slt, %iota3A, %lt3A_122 : vector<16xi32>
    %add3A_124 = arith.constant 8 : i32
    %add3A_125 = vector.broadcast %add3A_124 : i32 to vector<16xi32>
    %add3A_126 = arith.addi %sub3A_100, %add3A_125 : vector<16xi32>
    %broadcast_in_dim3A_127 = vector.shape_cast %add3A_126 : vector<16xi32> to vector<16x1xi32>
    %gather3A_128 = vector.shape_cast %broadcast_in_dim3A_127 : vector<16x1xi32> to vector<16xi32>
    %gather3A_129 = tpu.dynamic_gather %gather3A[%gather3A_128] in [0] : vector<16xi32>, vector<16xi32> -> vector<16xi32>
    %add3A_130 = arith.constant 8 : i32
    %add3A_131 = vector.broadcast %add3A_130 : i32 to vector<16xi32>
    %add3A_132 = arith.addi %sub3A_100, %add3A_131 : vector<16xi32>
    %broadcast_in_dim3A_133 = vector.shape_cast %add3A_132 : vector<16xi32> to vector<16x1xi32>
    %gather3A_134 = vector.shape_cast %broadcast_in_dim3A_133 : vector<16x1xi32> to vector<16xi32>
    %gather3A_135 = tpu.dynamic_gather %gather3A_104[%gather3A_134] in [0] : vector<16xi32>, vector<16xi32> -> vector<16xi32>
    %select_n3A_136 = arith.select %lt3A_123, %gather3A_129, %gather3A_135 : vector<16xi1>, vector<16xi32>
    %ne3A_137 = arith.constant 0 : i32
    %ne3A_138 = vector.broadcast %ne3A_137 : i32 to vector<16xi32>
    %ne3A_139 = arith.cmpi ne, %select_n3A_120, %ne3A_138 : vector<16xi32>
    %convert_element_type3A = arith.extui %ne3A_139 : vector<16xi1> to vector<16xi32>
    %convert_element_type3A_140 = arith.sitofp %convert_element_type3A : vector<16xi32> to vector<16xf32>
    %ne3A_141 = arith.constant 0 : i32
    %ne3A_142 = vector.broadcast %ne3A_141 : i32 to vector<16xi32>
    %ne3A_143 = arith.cmpi ne, %select_n3A_136, %ne3A_142 : vector<16xi32>
    %convert_element_type3A_144 = arith.extui %ne3A_143 : vector<16xi1> to vector<16xi32>
    %convert_element_type3A_145 = arith.sitofp %convert_element_type3A_144 : vector<16xi32> to vector<16xf32>
    %mul3A_146 = arith.constant 8 : i32
    %mul3A_147 = vector.broadcast %mul3A_146 : i32 to vector<16xi32>
    %mul3A_148 = arith.muli %select_n3A_96, %mul3A_147 : vector<16xi32>
    %add3A_149 = arith.addi %iota3A, %mul3A_148 : vector<16xi32>
    %mul3A_150 = arith.constant 256 : i32
    %mul3A_151 = vector.broadcast %mul3A_150 : i32 to vector<16xi32>
    %mul3A_152 = arith.muli %add3A_149, %mul3A_151 : vector<16xi32>
    %dma_wait3A_153 = arith.constant 0 : i32
    %dma_wait3A_154 = tpu.memref_slice %arg5[%select_n3A, %dma_wait3A_153] : memref<4x16xi32, #tpu.memory_space<hbm>> -> memref<1x16xi32, #tpu.memory_space<hbm>>
    %dma_wait3A_155 = tpu.memref_squeeze %dma_wait3A_154 : memref<1x16xi32, #tpu.memory_space<hbm>> -> memref<16xi32, #tpu.memory_space<hbm>>
    %dma_wait3A_156 = arith.constant 0 : i32
    %dma_wait3A_157 = tpu.memref_slice %arg5[%select_n3A, %dma_wait3A_156] : memref<4x16xi32, #tpu.memory_space<hbm>> -> memref<1x16xi32, #tpu.memory_space<hbm>>
    %dma_wait3A_158 = tpu.memref_squeeze %dma_wait3A_157 : memref<1x16xi32, #tpu.memory_space<hbm>> -> memref<16xi32, #tpu.memory_space<hbm>>
    tpu.wait_dma2 semaphore(%arg18 : memref<!tpu.dma_semaphore, #tpu.memory_space<semaphore_mem>>) src(%dma_wait3A_158 : memref<16xi32, #tpu.memory_space<hbm>>) dst(%arg11 : memref<16xi32, #tpu.memory_space<vmem>>)
    %dma_wait3A_159 = arith.constant 0 : i32
    %dma_wait3A_160 = tpu.memref_slice %arg13[%dma_wait3A_159] : memref<16xi32, #tpu.memory_space<vmem>> -> memref<4xi32, #tpu.memory_space<vmem>>
    %dma_wait3A_161 = arith.constant 0 : i32
    %dma_wait3A_162 = tpu.memref_slice %arg13[%dma_wait3A_161] : memref<16xi32, #tpu.memory_space<vmem>> -> memref<4xi32, #tpu.memory_space<vmem>>
    tpu.wait_dma2 semaphore(%arg18 : memref<!tpu.dma_semaphore, #tpu.memory_space<semaphore_mem>>) src(%arg7 : memref<4xi32, #tpu.memory_space<hbm>>) dst(%dma_wait3A_162 : memref<4xi32, #tpu.memory_space<vmem>>)
    %dma_wait3A_163 = arith.constant 0 : i32
    %dma_wait3A_164 = tpu.memref_slice %arg14[%dma_wait3A_163] : memref<16xi32, #tpu.memory_space<vmem>> -> memref<4xi32, #tpu.memory_space<vmem>>
    %dma_wait3A_165 = arith.constant 0 : i32
    %dma_wait3A_166 = tpu.memref_slice %arg14[%dma_wait3A_165] : memref<16xi32, #tpu.memory_space<vmem>> -> memref<4xi32, #tpu.memory_space<vmem>>
    tpu.wait_dma2 semaphore(%arg18 : memref<!tpu.dma_semaphore, #tpu.memory_space<semaphore_mem>>) src(%arg8 : memref<4xi32, #tpu.memory_space<hbm>>) dst(%dma_wait3A_166 : memref<4xi32, #tpu.memory_space<vmem>>)
    %broadcast_in_dim3A_167 = vector.broadcast %select_n3A : i32 to vector<16xi32>
    %gather3A_168 = tpu.vector_load_idx %arg14[%broadcast_in_dim3A_167] : memref<16xi32, #tpu.memory_space<vmem>>[vector<16xi32>], vector<16xi32>,
    %slice3A_169 = vector.extract_strided_slice %gather3A_168 {offsets = [0], sizes = [1], strides = [1]} : vector<16xi32> to vector<1xi32>
    %squeeze3A_170 = vector.extract %slice3A_169[0] : i32 from vector<1xi32>
    %gather3A_171 = tpu.vector_load_idx %arg13[%broadcast_in_dim3A_167] : memref<16xi32, #tpu.memory_space<vmem>>[vector<16xi32>], vector<16xi32>,
    %slice3A_172 = vector.extract_strided_slice %gather3A_171 {offsets = [0], sizes = [1], strides = [1]} : vector<16xi32> to vector<1xi32>
    %squeeze3A_173 = vector.extract %slice3A_172[0] : i32 from vector<1xi32>
    %get3A = arith.constant 0 : index
    %get3A_174 = tpu.vector_load %arg14[%get3A] {strides = array<i32>} : memref<16xi32, #tpu.memory_space<vmem>>, vector<16xi32>,
    %slice3A_175 = vector.extract_strided_slice %get3A_174 {offsets = [0], sizes = [1], strides = [1]} : vector<16xi32> to vector<1xi32>
    %squeeze3A_176 = vector.extract %slice3A_175[0] : i32 from vector<1xi32>
    %slice3A_177 = vector.extract_strided_slice %get3A_174 {offsets = [1], sizes = [1], strides = [1]} : vector<16xi32> to vector<1xi32>
    %squeeze3A_178 = vector.extract %slice3A_177[0] : i32 from vector<1xi32>
    %add3A_179 = arith.addi %squeeze3A_176, %squeeze3A_178 : i32
    %slice3A_180 = vector.extract_strided_slice %get3A_174 {offsets = [2], sizes = [1], strides = [1]} : vector<16xi32> to vector<1xi32>
    %squeeze3A_181 = vector.extract %slice3A_180[0] : i32 from vector<1xi32>
    %add3A_182 = arith.addi %add3A_179, %squeeze3A_181 : i32
    %slice3A_183 = vector.extract_strided_slice %get3A_174 {offsets = [3], sizes = [1], strides = [1]} : vector<16xi32> to vector<1xi32>
    %squeeze3A_184 = vector.extract %slice3A_183[0] : i32 from vector<1xi32>
    %add3A_185 = arith.addi %add3A_182, %squeeze3A_184 : i32
    %convert_element_type3A_186 = arith.sitofp %add3A_185 : i32 to f32
    %broadcast_in_dim3A_187 = vector.broadcast %convert_element_type3A_186 : f32 to vector<16xf32>
    %div3A_188 = arith.constant 1.000000e+00 : f32
    %div3A_189 = vector.broadcast %div3A_188 : f32 to vector<16xf32>
    %div3A_190 = arith.divf %div3A_189, %broadcast_in_dim3A_187 : vector<16xf32>
    %gather3A_191 = tpu.vector_load_idx %arg11[%broadcast_in_dim3A] : memref<16xi32, #tpu.memory_space<vmem>>[vector<16xi32>], vector<16xi32>,
    %slice3A_192 = vector.extract_strided_slice %gather3A_191 {offsets = [0], sizes = [1], strides = [1]} : vector<16xi32> to vector<1xi32>
    %squeeze3A_193 = vector.extract %slice3A_192[0] : i32 from vector<1xi32>
    %add3A_194 = arith.constant 1 : i32
    %add3A_195 = vector.broadcast %add3A_194 : i32 to vector<16xi32>
    %add3A_196 = arith.addi %broadcast_in_dim3A, %add3A_195 : vector<16xi32>
    %gather3A_197 = tpu.vector_load_idx %arg11[%add3A_196] : memref<16xi32, #tpu.memory_space<vmem>>[vector<16xi32>], vector<16xi32>,
    %slice3A_198 = vector.extract_strided_slice %gather3A_197 {offsets = [0], sizes = [1], strides = [1]} : vector<16xi32> to vector<1xi32>
    %squeeze3A_199 = vector.extract %slice3A_198[0] : i32 from vector<1xi32>
    %lt3A_200 = arith.constant 8 : i32
    %lt3A_201 = vector.broadcast %lt3A_200 : i32 to vector<16xi32>
    %lt3A_202 = arith.cmpi slt, %iota3A, %lt3A_201 : vector<16xi32>
    %broadcast_in_dim3A_203 = vector.broadcast %squeeze3A_193 : i32 to vector<16xi32>
    %broadcast_in_dim3A_204 = vector.broadcast %squeeze3A_199 : i32 to vector<16xi32>
    %select_n3A_205 = arith.select %lt3A_202, %broadcast_in_dim3A_203, %broadcast_in_dim3A_204 : vector<16xi1>, vector<16xi32>
    %lt3A_206 = arith.cmpi slt, %sub3A_100, %select_n3A_205 : vector<16xi32>
    %add3A_207 = vector.broadcast %sub3A_21 : i32 to vector<16xi32>
    %add3A_208 = arith.addi %add3A_207, %select_n3A_96 : vector<16xi32>
    %lt3A_209 = vector.broadcast %squeeze3A_173 : i32 to vector<16xi32>
    %lt3A_210 = arith.cmpi slt, %add3A_208, %lt3A_209 : vector<16xi32>
    %and3A_211 = arith.andi %lt3A_206, %lt3A_210 : vector<16xi1>
    %ne3A_212 = arith.constant 0 : i32
    %ne3A_213 = vector.broadcast %ne3A_212 : i32 to vector<16xi32>
    %ne3A_214 = arith.cmpi ne, %select_n3A_120, %ne3A_213 : vector<16xi32>
    %ne3A_215 = arith.constant 0 : i32
    %ne3A_216 = vector.broadcast %ne3A_215 : i32 to vector<16xi32>
    %ne3A_217 = arith.cmpi ne, %select_n3A_136, %ne3A_216 : vector<16xi32>
    %or3A = arith.ori %ne3A_214, %ne3A_217 : vector<16xi1>
    %and3A_218 = arith.andi %and3A_211, %or3A : vector<16xi1>
    %jit3A_219 = arith.constant 16 : i32
    %div3A_220 = arith.divsi %squeeze3A_170, %jit3A_219 : i32
    %sign3A_221 = arith.constant 0 : i32
    %sign3A_222 = arith.cmpi sgt, %squeeze3A_170, %sign3A_221 : i32
    %sign3A_223 = arith.extui %sign3A_222 : i1 to i32
    %sign3A_224 = arith.constant 0 : i32
    %sign3A_225 = arith.cmpi slt, %squeeze3A_170, %sign3A_224 : i32
    %sign3A_226 = arith.extui %sign3A_225 : i1 to i32
    %sign3A_227 = arith.subi %sign3A_223, %sign3A_226 : i32
    %sign3A_228 = arith.constant 0 : i32
    %sign3A_229 = arith.cmpi sgt, %jit3A_219, %sign3A_228 : i32
    %sign3A_230 = arith.extui %sign3A_229 : i1 to i32
    %sign3A_231 = arith.constant 0 : i32
    %sign3A_232 = arith.cmpi slt, %jit3A_219, %sign3A_231 : i32
    %sign3A_233 = arith.extui %sign3A_232 : i1 to i32
    %sign3A_234 = arith.subi %sign3A_230, %sign3A_233 : i32
    %ne3A_235 = arith.cmpi ne, %sign3A_227, %sign3A_234 : i32
    %rem3A_236 = arith.remsi %squeeze3A_170, %jit3A_219 : i32
    %ne3A_237 = arith.constant 0 : i32
    %ne3A_238 = arith.cmpi ne, %rem3A_236, %ne3A_237 : i32
    %and3A_239 = arith.andi %ne3A_235, %ne3A_238 : i1
    %sub3A_240 = arith.constant 1 : i32
    %sub3A_241 = arith.subi %div3A_220, %sub3A_240 : i32
    %select_n3A_242 = arith.select %and3A_239, %sub3A_241, %div3A_220 : i32
    %mul3A_243 = arith.constant 16 : i32
    %mul3A_244 = arith.muli %select_n3A_242, %mul3A_243 : i32
    %sub3A_245 = arith.subi %squeeze3A_170, %mul3A_244 : i32
    %ne3A_246 = arith.constant 0 : i32
    %ne3A_247 = arith.cmpi ne, %sub3A_245, %ne3A_246 : i32
    %and3A_248 = vector.broadcast %ne3A_247 : i1 to vector<16xi1>
    %and3A_249 = arith.andi %and3A_218, %and3A_248 : vector<16xi1>
    %broadcast_in_dim3A_250 = arith.constant 1.000000e+00 : f32
    %broadcast_in_dim3A_251 = vector.broadcast %broadcast_in_dim3A_250 : f32 to vector<16xf32>
    %jit3A_252 = arith.constant 0.000000e+00 : f32
    %broadcast_in_dim3A_253 = vector.broadcast %jit3A_252 : f32 to vector<16xf32>
    %select_n3A_254 = arith.select %and3A_249, %broadcast_in_dim3A_251, %broadcast_in_dim3A_253 : vector<16xi1>, vector<16xf32>
    %mul3A_255 = arith.constant 16 : i32
    %mul3A_256 = arith.muli %select_n3A_242, %mul3A_255 : i32
    %add3A_257 = vector.broadcast %mul3A_256 : i32 to vector<16xi32>
    %add3A_258 = arith.addi %add3A_257, %iota3A : vector<16xi32>
    %lt3A_259 = vector.broadcast %squeeze3A_170 : i32 to vector<16xi32>
    %lt3A_260 = arith.cmpi slt, %add3A_258, %lt3A_259 : vector<16xi32>
    %convert_element_type3A_261 = arith.extui %lt3A_260 : vector<16xi1> to vector<16xi32>
    %convert_element_type3A_262 = arith.sitofp %convert_element_type3A_261 : vector<16xi32> to vector<16xf32>
    %mul3A_263 = arith.constant 16 : i32
    %mul3A_264 = arith.muli %select_n3A_242, %mul3A_263 : i32
    %multiple_of3A = tpu.assume_multiple %mul3A_264, 16 : i32
    %swap3A = arith.constant 0 : index
    %swap3A_265 = tpu.vector_load %arg15[%swap3A] masked %and3A_218 {strides = array<i32>} : memref<16xi32, #tpu.memory_space<vmem>>, vector<16xi32>, vector<16xi1>
    tpu.vector_store %arg15[%swap3A], %iota3A masked %and3A_218 {strides = array<i32>} : memref<16xi32, #tpu.memory_space<vmem>>, vector<16xi32>, vector<16xi1>
    %all_reduce_population_count3A = tpu.all_reduce %and3A_218 {dim = 0 : i64, kind = #tpu.reduction_kind<sum>} : vector<16xi1> -> vector<16xi32>
    %slice3A_266 = vector.extract_strided_slice %all_reduce_population_count3A {offsets = [0], sizes = [1], strides = [1]} : vector<16xi32> to vector<1xi32>
    %squeeze3A_267 = vector.extract %slice3A_266[0] : i32 from vector<1xi32>
    %while3A = arith.constant 0 : i32
    %while3A_268 = arith.constant 0 : i32
    %while3A_269 = arith.subi %squeeze3A_267, %while3A : i32
    %while3A_270 = arith.addi %while3A, %while3A_269 : i32
    %while3A_271 = arith.constant 1 : i32
    %while3A_272 = arith.divsi %while3A_269, %while3A_271 : i32
    %while3A_273 = arith.muli %while3A_272, %while3A_271 : i32
    %while3A_274 = arith.addi %while3A, %while3A_273 : i32
    %while3A_275 = arith.constant 1 : i32
    %while3A_276 = scf.for %while3A_309 = %while3A to %while3A_274 step %while3A_275 iter_args(%while3A_310 = %while3A_268) -> (i32)  : i32 {
      %broadcast_in_dim3A_311 = vector.broadcast %while3A_309 : i32 to vector<16xi32>
      %gather3A_312 = tpu.vector_load_idx %arg15[%broadcast_in_dim3A_311] : memref<16xi32, #tpu.memory_space<vmem>>[vector<16xi32>], vector<16xi32>,
      %broadcast_in_dim3A_313 = vector.shape_cast %gather3A_312 : vector<16xi32> to vector<16x1xi32>
      %gather3A_314 = vector.shape_cast %broadcast_in_dim3A_313 : vector<16x1xi32> to vector<16xi32>
      %gather3A_315 = tpu.dynamic_gather %select_n3A_120[%gather3A_314] in [0] : vector<16xi32>, vector<16xi32> -> vector<16xi32>
      %slice3A_316 = vector.extract_strided_slice %gather3A_315 {offsets = [0], sizes = [1], strides = [1]} : vector<16xi32> to vector<1xi32>
      %squeeze3A_317 = vector.extract %slice3A_316[0] : i32 from vector<1xi32>
      %broadcast_in_dim3A_318 = vector.shape_cast %gather3A_312 : vector<16xi32> to vector<16x1xi32>
      %gather3A_319 = vector.shape_cast %broadcast_in_dim3A_318 : vector<16x1xi32> to vector<16xi32>
      %gather3A_320 = tpu.dynamic_gather %select_n3A_136[%gather3A_319] in [0] : vector<16xi32>, vector<16xi32> -> vector<16xi32>
      %slice3A_321 = vector.extract_strided_slice %gather3A_320 {offsets = [0], sizes = [1], strides = [1]} : vector<16xi32> to vector<1xi32>
      %squeeze3A_322 = vector.extract %slice3A_321[0] : i32 from vector<1xi32>
      %broadcast_in_dim3A_323 = vector.shape_cast %gather3A_312 : vector<16xi32> to vector<16x1xi32>
      %gather3A_324 = vector.shape_cast %broadcast_in_dim3A_323 : vector<16x1xi32> to vector<16xi32>
      %gather3A_325 = tpu.dynamic_gather %mul3A_152[%gather3A_324] in [0] : vector<16xi32>, vector<16xi32> -> vector<16xi32>
      %slice3A_326 = vector.extract_strided_slice %gather3A_325 {offsets = [0], sizes = [1], strides = [1]} : vector<16xi32> to vector<1xi32>
      %squeeze3A_327 = vector.extract %slice3A_326[0] : i32 from vector<1xi32>
      %multiple_of3A_328 = tpu.assume_multiple %squeeze3A_327, 256 : i32
      %slice3A_329 = vector.extract_strided_slice %gather3A_312 {offsets = [0], sizes = [1], strides = [1]} : vector<16xi32> to vector<1xi32>
      %squeeze3A_330 = vector.extract %slice3A_329[0] : i32 from vector<1xi32>
      %lt3A_331 = arith.constant 8 : i32
      %lt3A_332 = arith.cmpi slt, %squeeze3A_330, %lt3A_331 : i32
      %select_n3A_333 = arith.select %lt3A_332, %squeeze3A, %squeeze3A_111 : i32
      %dma_start3A_334 = tpu.memref_slice %arg16[%multiple_of3A_328] : memref<8208xf32, #tpu.memory_space<vmem>> -> memref<256xf32, #tpu.memory_space<vmem>>
      %dma_start3A_335 = arith.constant 0 : i32
      %dma_start3A_336 = tpu.memref_slice %arg2[%select_n3A, %select_n3A_333, %squeeze3A_317, %dma_start3A_335] : memref<4x256x40x256xf32, #tpu.memory_space<hbm>> -> memref<1x1x1x256xf32, #tpu.memory_space<hbm>>
      %dma_start3A_337 = tpu.memref_squeeze %dma_start3A_336 : memref<1x1x1x256xf32, #tpu.memory_space<hbm>> -> memref<256xf32, #tpu.memory_space<hbm>>
      %dma_start3A_338 = tpu.memref_slice %arg16[%multiple_of3A_328] : memref<8208xf32, #tpu.memory_space<vmem>> -> memref<256xf32, #tpu.memory_space<vmem>>
      %dma_start3A_339 = arith.constant 0 : i32
      %dma_start3A_340 = tpu.memref_slice %arg2[%select_n3A, %select_n3A_333, %squeeze3A_317, %dma_start3A_339] : memref<4x256x40x256xf32, #tpu.memory_space<hbm>> -> memref<1x1x1x256xf32, #tpu.memory_space<hbm>>
      %dma_start3A_341 = tpu.memref_squeeze %dma_start3A_340 : memref<1x1x1x256xf32, #tpu.memory_space<hbm>> -> memref<256xf32, #tpu.memory_space<hbm>>
      tpu.enqueue_dma source(%dma_start3A_341 : memref<256xf32, #tpu.memory_space<hbm>>) target(%dma_start3A_338 : memref<256xf32, #tpu.memory_space<vmem>>) target_semaphore(%arg18 : memref<!tpu.dma_semaphore, #tpu.memory_space<semaphore_mem>>)
      %add3A_342 = arith.constant 2048 : i32
      %add3A_343 = arith.addi %multiple_of3A_328, %add3A_342 : i32
      %dma_start3A_344 = tpu.memref_slice %arg16[%add3A_343] : memref<8208xf32, #tpu.memory_space<vmem>> -> memref<256xf32, #tpu.memory_space<vmem>>
      %dma_start3A_345 = arith.constant 0 : i32
      %dma_start3A_346 = tpu.memref_slice %arg3[%select_n3A, %select_n3A_333, %squeeze3A_322, %dma_start3A_345] : memref<4x256x40x256xf32, #tpu.memory_space<hbm>> -> memref<1x1x1x256xf32, #tpu.memory_space<hbm>>
      %dma_start3A_347 = tpu.memref_squeeze %dma_start3A_346 : memref<1x1x1x256xf32, #tpu.memory_space<hbm>> -> memref<256xf32, #tpu.memory_space<hbm>>
      %dma_start3A_348 = tpu.memref_slice %arg16[%add3A_343] : memref<8208xf32, #tpu.memory_space<vmem>> -> memref<256xf32, #tpu.memory_space<vmem>>
      %dma_start3A_349 = arith.constant 0 : i32
      %dma_start3A_350 = tpu.memref_slice %arg3[%select_n3A, %select_n3A_333, %squeeze3A_322, %dma_start3A_349] : memref<4x256x40x256xf32, #tpu.memory_space<hbm>> -> memref<1x1x1x256xf32, #tpu.memory_space<hbm>>
      %dma_start3A_351 = tpu.memref_squeeze %dma_start3A_350 : memref<1x1x1x256xf32, #tpu.memory_space<hbm>> -> memref<256xf32, #tpu.memory_space<hbm>>
      tpu.enqueue_dma source(%dma_start3A_351 : memref<256xf32, #tpu.memory_space<hbm>>) target(%dma_start3A_348 : memref<256xf32, #tpu.memory_space<vmem>>) target_semaphore(%arg18 : memref<!tpu.dma_semaphore, #tpu.memory_space<semaphore_mem>>)
      %while3A_352 = arith.constant 0 : i32
      scf.yield %while3A_352 : i32
    }
    %while3A_277 = arith.constant 1 : i32
    %while3A_278 = scf.for %while3A_309 = %while3A_274 to %while3A_270 step %while3A_277 iter_args(%while3A_310 = %while3A_276) -> (i32)  : i32 {
      %broadcast_in_dim3A_311 = vector.broadcast %while3A_309 : i32 to vector<16xi32>
      %gather3A_312 = tpu.vector_load_idx %arg15[%broadcast_in_dim3A_311] : memref<16xi32, #tpu.memory_space<vmem>>[vector<16xi32>], vector<16xi32>,
      %broadcast_in_dim3A_313 = vector.shape_cast %gather3A_312 : vector<16xi32> to vector<16x1xi32>
      %gather3A_314 = vector.shape_cast %broadcast_in_dim3A_313 : vector<16x1xi32> to vector<16xi32>
      %gather3A_315 = tpu.dynamic_gather %select_n3A_120[%gather3A_314] in [0] : vector<16xi32>, vector<16xi32> -> vector<16xi32>
      %slice3A_316 = vector.extract_strided_slice %gather3A_315 {offsets = [0], sizes = [1], strides = [1]} : vector<16xi32> to vector<1xi32>
      %squeeze3A_317 = vector.extract %slice3A_316[0] : i32 from vector<1xi32>
      %broadcast_in_dim3A_318 = vector.shape_cast %gather3A_312 : vector<16xi32> to vector<16x1xi32>
      %gather3A_319 = vector.shape_cast %broadcast_in_dim3A_318 : vector<16x1xi32> to vector<16xi32>
      %gather3A_320 = tpu.dynamic_gather %select_n3A_136[%gather3A_319] in [0] : vector<16xi32>, vector<16xi32> -> vector<16xi32>
      %slice3A_321 = vector.extract_strided_slice %gather3A_320 {offsets = [0], sizes = [1], strides = [1]} : vector<16xi32> to vector<1xi32>
      %squeeze3A_322 = vector.extract %slice3A_321[0] : i32 from vector<1xi32>
      %broadcast_in_dim3A_323 = vector.shape_cast %gather3A_312 : vector<16xi32> to vector<16x1xi32>
      %gather3A_324 = vector.shape_cast %broadcast_in_dim3A_323 : vector<16x1xi32> to vector<16xi32>
      %gather3A_325 = tpu.dynamic_gather %mul3A_152[%gather3A_324] in [0] : vector<16xi32>, vector<16xi32> -> vector<16xi32>
      %slice3A_326 = vector.extract_strided_slice %gather3A_325 {offsets = [0], sizes = [1], strides = [1]} : vector<16xi32> to vector<1xi32>
      %squeeze3A_327 = vector.extract %slice3A_326[0] : i32 from vector<1xi32>
      %multiple_of3A_328 = tpu.assume_multiple %squeeze3A_327, 256 : i32
      %slice3A_329 = vector.extract_strided_slice %gather3A_312 {offsets = [0], sizes = [1], strides = [1]} : vector<16xi32> to vector<1xi32>
      %squeeze3A_330 = vector.extract %slice3A_329[0] : i32 from vector<1xi32>
      %lt3A_331 = arith.constant 8 : i32
      %lt3A_332 = arith.cmpi slt, %squeeze3A_330, %lt3A_331 : i32
      %select_n3A_333 = arith.select %lt3A_332, %squeeze3A, %squeeze3A_111 : i32
      %dma_start3A_334 = tpu.memref_slice %arg16[%multiple_of3A_328] : memref<8208xf32, #tpu.memory_space<vmem>> -> memref<256xf32, #tpu.memory_space<vmem>>
      %dma_start3A_335 = arith.constant 0 : i32
      %dma_start3A_336 = tpu.memref_slice %arg2[%select_n3A, %select_n3A_333, %squeeze3A_317, %dma_start3A_335] : memref<4x256x40x256xf32, #tpu.memory_space<hbm>> -> memref<1x1x1x256xf32, #tpu.memory_space<hbm>>
      %dma_start3A_337 = tpu.memref_squeeze %dma_start3A_336 : memref<1x1x1x256xf32, #tpu.memory_space<hbm>> -> memref<256xf32, #tpu.memory_space<hbm>>
      %dma_start3A_338 = tpu.memref_slice %arg16[%multiple_of3A_328] : memref<8208xf32, #tpu.memory_space<vmem>> -> memref<256xf32, #tpu.memory_space<vmem>>
      %dma_start3A_339 = arith.constant 0 : i32
      %dma_start3A_340 = tpu.memref_slice %arg2[%select_n3A, %select_n3A_333, %squeeze3A_317, %dma_start3A_339] : memref<4x256x40x256xf32, #tpu.memory_space<hbm>> -> memref<1x1x1x256xf32, #tpu.memory_space<hbm>>
      %dma_start3A_341 = tpu.memref_squeeze %dma_start3A_340 : memref<1x1x1x256xf32, #tpu.memory_space<hbm>> -> memref<256xf32, #tpu.memory_space<hbm>>
      tpu.enqueue_dma source(%dma_start3A_341 : memref<256xf32, #tpu.memory_space<hbm>>) target(%dma_start3A_338 : memref<256xf32, #tpu.memory_space<vmem>>) target_semaphore(%arg18 : memref<!tpu.dma_semaphore, #tpu.memory_space<semaphore_mem>>)
      %add3A_342 = arith.constant 2048 : i32
      %add3A_343 = arith.addi %multiple_of3A_328, %add3A_342 : i32
      %dma_start3A_344 = tpu.memref_slice %arg16[%add3A_343] : memref<8208xf32, #tpu.memory_space<vmem>> -> memref<256xf32, #tpu.memory_space<vmem>>
      %dma_start3A_345 = arith.constant 0 : i32
      %dma_start3A_346 = tpu.memref_slice %arg3[%select_n3A, %select_n3A_333, %squeeze3A_322, %dma_start3A_345] : memref<4x256x40x256xf32, #tpu.memory_space<hbm>> -> memref<1x1x1x256xf32, #tpu.memory_space<hbm>>
      %dma_start3A_347 = tpu.memref_squeeze %dma_start3A_346 : memref<1x1x1x256xf32, #tpu.memory_space<hbm>> -> memref<256xf32, #tpu.memory_space<hbm>>
      %dma_start3A_348 = tpu.memref_slice %arg16[%add3A_343] : memref<8208xf32, #tpu.memory_space<vmem>> -> memref<256xf32, #tpu.memory_space<vmem>>
      %dma_start3A_349 = arith.constant 0 : i32
      %dma_start3A_350 = tpu.memref_slice %arg3[%select_n3A, %select_n3A_333, %squeeze3A_322, %dma_start3A_349] : memref<4x256x40x256xf32, #tpu.memory_space<hbm>> -> memref<1x1x1x256xf32, #tpu.memory_space<hbm>>
      %dma_start3A_351 = tpu.memref_squeeze %dma_start3A_350 : memref<1x1x1x256xf32, #tpu.memory_space<hbm>> -> memref<256xf32, #tpu.memory_space<hbm>>
      tpu.enqueue_dma source(%dma_start3A_351 : memref<256xf32, #tpu.memory_space<hbm>>) target(%dma_start3A_348 : memref<256xf32, #tpu.memory_space<vmem>>) target_semaphore(%arg18 : memref<!tpu.dma_semaphore, #tpu.memory_space<semaphore_mem>>)
      %while3A_352 = arith.constant 0 : i32
      scf.yield %while3A_352 : i32
    }
    %mul3A_279 = arith.constant 2 : i32
    %mul3A_280 = arith.muli %mul3A_279, %squeeze3A_267 : i32
    %while3A_281 = arith.constant 0 : i32
    %while3A_282 = arith.constant 0 : i32
    %while3A_283 = arith.subi %mul3A_280, %while3A_281 : i32
    %while3A_284 = arith.addi %while3A_281, %while3A_283 : i32
    %while3A_285 = arith.constant 1 : i32
    %while3A_286 = arith.divsi %while3A_283, %while3A_285 : i32
    %while3A_287 = arith.muli %while3A_286, %while3A_285 : i32
    %while3A_288 = arith.addi %while3A_281, %while3A_287 : i32
    %while3A_289 = arith.constant 1 : i32
    %while3A_290 = scf.for %while3A_309 = %while3A_281 to %while3A_288 step %while3A_289 iter_args(%while3A_310 = %while3A_282) -> (i32)  : i32 {
      %dma_wait3A_311 = arith.constant 0 : i32
      %dma_wait3A_312 = arith.constant 0 : i32
      %dma_wait3A_313 = arith.constant 0 : i32
      %dma_wait3A_314 = arith.constant 0 : i32
      %dma_wait3A_315 = tpu.memref_slice %arg16[%dma_wait3A_314] : memref<8208xf32, #tpu.memory_space<vmem>> -> memref<256xf32, #tpu.memory_space<vmem>>
      %dma_wait3A_316 = arith.constant 0 : i32
      %dma_wait3A_317 = tpu.memref_slice %arg2[%dma_wait3A_311, %dma_wait3A_312, %dma_wait3A_313, %dma_wait3A_316] : memref<4x256x40x256xf32, #tpu.memory_space<hbm>> -> memref<1x1x1x256xf32, #tpu.memory_space<hbm>>
      %dma_wait3A_318 = tpu.memref_squeeze %dma_wait3A_317 : memref<1x1x1x256xf32, #tpu.memory_space<hbm>> -> memref<256xf32, #tpu.memory_space<hbm>>
      %dma_wait3A_319 = arith.constant 0 : i32
      %dma_wait3A_320 = tpu.memref_slice %arg16[%dma_wait3A_319] : memref<8208xf32, #tpu.memory_space<vmem>> -> memref<256xf32, #tpu.memory_space<vmem>>
      %dma_wait3A_321 = arith.constant 0 : i32
      %dma_wait3A_322 = tpu.memref_slice %arg2[%dma_wait3A_311, %dma_wait3A_312, %dma_wait3A_313, %dma_wait3A_321] : memref<4x256x40x256xf32, #tpu.memory_space<hbm>> -> memref<1x1x1x256xf32, #tpu.memory_space<hbm>>
      %dma_wait3A_323 = tpu.memref_squeeze %dma_wait3A_322 : memref<1x1x1x256xf32, #tpu.memory_space<hbm>> -> memref<256xf32, #tpu.memory_space<hbm>>
      tpu.wait_dma2 semaphore(%arg18 : memref<!tpu.dma_semaphore, #tpu.memory_space<semaphore_mem>>) src(%dma_wait3A_323 : memref<256xf32, #tpu.memory_space<hbm>>) dst(%dma_wait3A_320 : memref<256xf32, #tpu.memory_space<vmem>>)
      %while3A_324 = arith.constant 0 : i32
      scf.yield %while3A_324 : i32
    }
    %while3A_291 = arith.constant 1 : i32
    %while3A_292 = scf.for %while3A_309 = %while3A_288 to %while3A_284 step %while3A_291 iter_args(%while3A_310 = %while3A_290) -> (i32)  : i32 {
      %dma_wait3A_311 = arith.constant 0 : i32
      %dma_wait3A_312 = arith.constant 0 : i32
      %dma_wait3A_313 = arith.constant 0 : i32
      %dma_wait3A_314 = arith.constant 0 : i32
      %dma_wait3A_315 = tpu.memref_slice %arg16[%dma_wait3A_314] : memref<8208xf32, #tpu.memory_space<vmem>> -> memref<256xf32, #tpu.memory_space<vmem>>
      %dma_wait3A_316 = arith.constant 0 : i32
      %dma_wait3A_317 = tpu.memref_slice %arg2[%dma_wait3A_311, %dma_wait3A_312, %dma_wait3A_313, %dma_wait3A_316] : memref<4x256x40x256xf32, #tpu.memory_space<hbm>> -> memref<1x1x1x256xf32, #tpu.memory_space<hbm>>
      %dma_wait3A_318 = tpu.memref_squeeze %dma_wait3A_317 : memref<1x1x1x256xf32, #tpu.memory_space<hbm>> -> memref<256xf32, #tpu.memory_space<hbm>>
      %dma_wait3A_319 = arith.constant 0 : i32
      %dma_wait3A_320 = tpu.memref_slice %arg16[%dma_wait3A_319] : memref<8208xf32, #tpu.memory_space<vmem>> -> memref<256xf32, #tpu.memory_space<vmem>>
      %dma_wait3A_321 = arith.constant 0 : i32
      %dma_wait3A_322 = tpu.memref_slice %arg2[%dma_wait3A_311, %dma_wait3A_312, %dma_wait3A_313, %dma_wait3A_321] : memref<4x256x40x256xf32, #tpu.memory_space<hbm>> -> memref<1x1x1x256xf32, #tpu.memory_space<hbm>>
      %dma_wait3A_323 = tpu.memref_squeeze %dma_wait3A_322 : memref<1x1x1x256xf32, #tpu.memory_space<hbm>> -> memref<256xf32, #tpu.memory_space<hbm>>
      tpu.wait_dma2 semaphore(%arg18 : memref<!tpu.dma_semaphore, #tpu.memory_space<semaphore_mem>>) src(%dma_wait3A_323 : memref<256xf32, #tpu.memory_space<hbm>>) dst(%dma_wait3A_320 : memref<256xf32, #tpu.memory_space<vmem>>)
      %while3A_324 = arith.constant 0 : i32
      scf.yield %while3A_324 : i32
    }
    %broadcast_in_dim3A_293 = arith.constant 0.000000e+00 : f32
    %broadcast_in_dim3A_294 = vector.broadcast %broadcast_in_dim3A_293 : f32 to vector<16xf32>
    %while3A_295 = arith.constant 0 : i32
    %while3A_296 = arith.subi %squeeze3A_267, %while3A_295 : i32
    %while3A_297 = arith.addi %while3A_295, %while3A_296 : i32
    %while3A_298 = arith.constant 1 : i32
    %while3A_299 = arith.divsi %while3A_296, %while3A_298 : i32
    %while3A_300 = arith.muli %while3A_299, %while3A_298 : i32
    %while3A_301 = arith.addi %while3A_295, %while3A_300 : i32
    %while3A_302 = arith.constant 1 : i32
    %while3A_303 = scf.for %while3A_309 = %while3A_295 to %while3A_301 step %while3A_302 iter_args(%while3A_310 = %broadcast_in_dim3A_294) -> (vector<16xf32>)  : i32 {
      %broadcast_in_dim3A_311 = vector.broadcast %while3A_309 : i32 to vector<16xi32>
      %gather3A_312 = tpu.vector_load_idx %arg15[%broadcast_in_dim3A_311] : memref<16xi32, #tpu.memory_space<vmem>>[vector<16xi32>], vector<16xi32>,
      %broadcast_in_dim3A_313 = vector.shape_cast %gather3A_312 : vector<16xi32> to vector<16x1xi32>
      %gather3A_314 = vector.shape_cast %broadcast_in_dim3A_313 : vector<16x1xi32> to vector<16xi32>
      %gather3A_315 = tpu.dynamic_gather %convert_element_type3A_140[%gather3A_314] in [0] : vector<16xf32>, vector<16xi32> -> vector<16xf32>
      %slice3A_316 = vector.extract_strided_slice %gather3A_315 {offsets = [0], sizes = [1], strides = [1]} : vector<16xf32> to vector<1xf32>
      %squeeze3A_317 = vector.extract %slice3A_316[0] : f32 from vector<1xf32>
      %broadcast_in_dim3A_318 = vector.shape_cast %gather3A_312 : vector<16xi32> to vector<16x1xi32>
      %gather3A_319 = vector.shape_cast %broadcast_in_dim3A_318 : vector<16x1xi32> to vector<16xi32>
      %gather3A_320 = tpu.dynamic_gather %convert_element_type3A_145[%gather3A_319] in [0] : vector<16xf32>, vector<16xi32> -> vector<16xf32>
      %slice3A_321 = vector.extract_strided_slice %gather3A_320 {offsets = [0], sizes = [1], strides = [1]} : vector<16xf32> to vector<1xf32>
      %squeeze3A_322 = vector.extract %slice3A_321[0] : f32 from vector<1xf32>
      %broadcast_in_dim3A_323 = vector.shape_cast %gather3A_312 : vector<16xi32> to vector<16x1xi32>
      %gather3A_324 = vector.shape_cast %broadcast_in_dim3A_323 : vector<16x1xi32> to vector<16xi32>
      %gather3A_325 = tpu.dynamic_gather %select_n3A_254[%gather3A_324] in [0] : vector<16xf32>, vector<16xi32> -> vector<16xf32>
      %slice3A_326 = vector.extract_strided_slice %gather3A_325 {offsets = [0], sizes = [1], strides = [1]} : vector<16xf32> to vector<1xf32>
      %squeeze3A_327 = vector.extract %slice3A_326[0] : f32 from vector<1xf32>
      %broadcast_in_dim3A_328 = vector.shape_cast %gather3A_312 : vector<16xi32> to vector<16x1xi32>
      %gather3A_329 = vector.shape_cast %broadcast_in_dim3A_328 : vector<16x1xi32> to vector<16xi32>
      %gather3A_330 = tpu.dynamic_gather %mul3A_152[%gather3A_329] in [0] : vector<16xi32>, vector<16xi32> -> vector<16xi32>
      %slice3A_331 = vector.extract_strided_slice %gather3A_330 {offsets = [0], sizes = [1], strides = [1]} : vector<16xi32> to vector<1xi32>
      %squeeze3A_332 = vector.extract %slice3A_331[0] : i32 from vector<1xi32>
      %multiple_of3A_333 = tpu.assume_multiple %squeeze3A_332, 256 : i32
      %add3A_334 = arith.constant 2048 : i32
      %add3A_335 = arith.addi %multiple_of3A_333, %add3A_334 : i32
      %jit3A_336 = arith.constant 2 : i32
      %div3A_337 = arith.divsi %select_n3A_242, %jit3A_336 : i32
      %sign3A_338 = arith.constant 0 : i32
      %sign3A_339 = arith.cmpi sgt, %select_n3A_242, %sign3A_338 : i32
      %sign3A_340 = arith.extui %sign3A_339 : i1 to i32
      %sign3A_341 = arith.constant 0 : i32
      %sign3A_342 = arith.cmpi slt, %select_n3A_242, %sign3A_341 : i32
      %sign3A_343 = arith.extui %sign3A_342 : i1 to i32
      %sign3A_344 = arith.subi %sign3A_340, %sign3A_343 : i32
      %sign3A_345 = arith.constant 0 : i32
      %sign3A_346 = arith.cmpi sgt, %jit3A_336, %sign3A_345 : i32
      %sign3A_347 = arith.extui %sign3A_346 : i1 to i32
      %sign3A_348 = arith.constant 0 : i32
      %sign3A_349 = arith.cmpi slt, %jit3A_336, %sign3A_348 : i32
      %sign3A_350 = arith.extui %sign3A_349 : i1 to i32
      %sign3A_351 = arith.subi %sign3A_347, %sign3A_350 : i32
      %ne3A_352 = arith.cmpi ne, %sign3A_344, %sign3A_351 : i32
      %rem3A_353 = arith.remsi %select_n3A_242, %jit3A_336 : i32
      %ne3A_354 = arith.constant 0 : i32
      %ne3A_355 = arith.cmpi ne, %rem3A_353, %ne3A_354 : i32
      %and3A_356 = arith.andi %ne3A_352, %ne3A_355 : i1
      %sub3A_357 = arith.constant 1 : i32
      %sub3A_358 = arith.subi %div3A_337, %sub3A_357 : i32
      %select_n3A_359 = arith.select %and3A_356, %sub3A_358, %div3A_337 : i32
      %while3A_360 = arith.constant 0 : i32
      %while3A_361 = arith.subi %select_n3A_359, %while3A_360 : i32
      %while3A_362 = arith.addi %while3A_360, %while3A_361 : i32
      %while3A_363 = arith.constant 1 : i32
      %while3A_364 = arith.divsi %while3A_361, %while3A_363 : i32
      %while3A_365 = arith.muli %while3A_364, %while3A_363 : i32
      %while3A_366 = arith.addi %while3A_360, %while3A_365 : i32
      %while3A_367 = arith.constant 1 : i32
      %while3A_368 = scf.for %while3A_435 = %while3A_360 to %while3A_366 step %while3A_367 iter_args(%while3A_436 = %while3A_310) -> (vector<16xf32>)  : i32 {
        %mul3A_437 = arith.constant 32 : i32
        %mul3A_438 = arith.muli %while3A_435, %mul3A_437 : i32
        %add3A_439 = arith.addi %multiple_of3A_333, %mul3A_438 : i32
        %get3A_440 = arith.index_cast %add3A_439 : i32 to index
        %get3A_441 = tpu.vector_load %arg16[%get3A_440] {strides = array<i32>} : memref<8208xf32, #tpu.memory_space<vmem>>, vector<16xf32>,
        %mul3A_442 = vector.broadcast %squeeze3A_317 : f32 to vector<16xf32>
        %mul3A_443 = arith.mulf %get3A_441, %mul3A_442 : vector<16xf32>
        %mul3A_444 = arith.constant 32 : i32
        %mul3A_445 = arith.muli %while3A_435, %mul3A_444 : i32
        %add3A_446 = arith.addi %add3A_335, %mul3A_445 : i32
        %get3A_447 = arith.index_cast %add3A_446 : i32 to index
        %get3A_448 = tpu.vector_load %arg16[%get3A_447] {strides = array<i32>} : memref<8208xf32, #tpu.memory_space<vmem>>, vector<16xf32>,
        %mul3A_449 = vector.broadcast %squeeze3A_322 : f32 to vector<16xf32>
        %mul3A_450 = arith.mulf %get3A_448, %mul3A_449 : vector<16xf32>
        %mul3A_451 = arith.constant 32 : i32
        %mul3A_452 = arith.muli %while3A_435, %mul3A_451 : i32
        %add3A_453 = arith.addi %multiple_of3A_333, %mul3A_452 : i32
        %add3A_454 = arith.constant 16 : i32
        %add3A_455 = arith.addi %add3A_453, %add3A_454 : i32
        %get3A_456 = arith.index_cast %add3A_455 : i32 to index
        %get3A_457 = tpu.vector_load %arg16[%get3A_456] {strides = array<i32>} : memref<8208xf32, #tpu.memory_space<vmem>>, vector<16xf32>,
        %mul3A_458 = vector.broadcast %squeeze3A_317 : f32 to vector<16xf32>
        %mul3A_459 = arith.mulf %get3A_457, %mul3A_458 : vector<16xf32>
        %mul3A_460 = arith.constant 32 : i32
        %mul3A_461 = arith.muli %while3A_435, %mul3A_460 : i32
        %add3A_462 = arith.addi %add3A_335, %mul3A_461 : i32
        %add3A_463 = arith.constant 16 : i32
        %add3A_464 = arith.addi %add3A_462, %add3A_463 : i32
        %get3A_465 = arith.index_cast %add3A_464 : i32 to index
        %get3A_466 = tpu.vector_load %arg16[%get3A_465] {strides = array<i32>} : memref<8208xf32, #tpu.memory_space<vmem>>, vector<16xf32>,
        %mul3A_467 = vector.broadcast %squeeze3A_322 : f32 to vector<16xf32>
        %mul3A_468 = arith.mulf %get3A_466, %mul3A_467 : vector<16xf32>
        %sub3A_469 = arith.subf %mul3A_443, %mul3A_450 : vector<16xf32>
        %abs3A_470 = math.absf %sub3A_469 : vector<16xf32>
        %add3A_471 = arith.addf %while3A_436, %abs3A_470 : vector<16xf32>
        %sub3A_472 = arith.subf %mul3A_459, %mul3A_468 : vector<16xf32>
        %abs3A_473 = math.absf %sub3A_472 : vector<16xf32>
        %add3A_474 = arith.addf %add3A_471, %abs3A_473 : vector<16xf32>
        scf.yield %add3A_474 : vector<16xf32>
      }
      %while3A_369 = arith.constant 1 : i32
      %while3A_370 = scf.for %while3A_435 = %while3A_366 to %while3A_362 step %while3A_369 iter_args(%while3A_436 = %while3A_368) -> (vector<16xf32>)  : i32 {
        %mul3A_437 = arith.constant 32 : i32
        %mul3A_438 = arith.muli %while3A_435, %mul3A_437 : i32
        %add3A_439 = arith.addi %multiple_of3A_333, %mul3A_438 : i32
        %get3A_440 = arith.index_cast %add3A_439 : i32 to index
        %get3A_441 = tpu.vector_load %arg16[%get3A_440] {strides = array<i32>} : memref<8208xf32, #tpu.memory_space<vmem>>, vector<16xf32>,
        %mul3A_442 = vector.broadcast %squeeze3A_317 : f32 to vector<16xf32>
        %mul3A_443 = arith.mulf %get3A_441, %mul3A_442 : vector<16xf32>
        %mul3A_444 = arith.constant 32 : i32
        %mul3A_445 = arith.muli %while3A_435, %mul3A_444 : i32
        %add3A_446 = arith.addi %add3A_335, %mul3A_445 : i32
        %get3A_447 = arith.index_cast %add3A_446 : i32 to index
        %get3A_448 = tpu.vector_load %arg16[%get3A_447] {strides = array<i32>} : memref<8208xf32, #tpu.memory_space<vmem>>, vector<16xf32>,
        %mul3A_449 = vector.broadcast %squeeze3A_322 : f32 to vector<16xf32>
        %mul3A_450 = arith.mulf %get3A_448, %mul3A_449 : vector<16xf32>
        %mul3A_451 = arith.constant 32 : i32
        %mul3A_452 = arith.muli %while3A_435, %mul3A_451 : i32
        %add3A_453 = arith.addi %multiple_of3A_333, %mul3A_452 : i32
        %add3A_454 = arith.constant 16 : i32
        %add3A_455 = arith.addi %add3A_453, %add3A_454 : i32
        %get3A_456 = arith.index_cast %add3A_455 : i32 to index
        %get3A_457 = tpu.vector_load %arg16[%get3A_456] {strides = array<i32>} : memref<8208xf32, #tpu.memory_space<vmem>>, vector<16xf32>,
        %mul3A_458 = vector.broadcast %squeeze3A_317 : f32 to vector<16xf32>
        %mul3A_459 = arith.mulf %get3A_457, %mul3A_458 : vector<16xf32>
        %mul3A_460 = arith.constant 32 : i32
        %mul3A_461 = arith.muli %while3A_435, %mul3A_460 : i32
        %add3A_462 = arith.addi %add3A_335, %mul3A_461 : i32
        %add3A_463 = arith.constant 16 : i32
        %add3A_464 = arith.addi %add3A_462, %add3A_463 : i32
        %get3A_465 = arith.index_cast %add3A_464 : i32 to index
        %get3A_466 = tpu.vector_load %arg16[%get3A_465] {strides = array<i32>} : memref<8208xf32, #tpu.memory_space<vmem>>, vector<16xf32>,
        %mul3A_467 = vector.broadcast %squeeze3A_322 : f32 to vector<16xf32>
        %mul3A_468 = arith.mulf %get3A_466, %mul3A_467 : vector<16xf32>
        %sub3A_469 = arith.subf %mul3A_443, %mul3A_450 : vector<16xf32>
        %abs3A_470 = math.absf %sub3A_469 : vector<16xf32>
        %add3A_471 = arith.addf %while3A_436, %abs3A_470 : vector<16xf32>
        %sub3A_472 = arith.subf %mul3A_459, %mul3A_468 : vector<16xf32>
        %abs3A_473 = math.absf %sub3A_472 : vector<16xf32>
        %add3A_474 = arith.addf %add3A_471, %abs3A_473 : vector<16xf32>
        scf.yield %add3A_474 : vector<16xf32>
      }
      %sub3A_371 = arith.constant 1 : i32
      %sub3A_372 = arith.subi %select_n3A_242, %sub3A_371 : i32
      %max3A = arith.constant 0 : i32
      %max3A_373 = arith.maxsi %sub3A_372, %max3A : i32
      %mul3A_374 = arith.constant 16 : i32
      %mul3A_375 = arith.muli %max3A_373, %mul3A_374 : i32
      %multiple_of3A_376 = tpu.assume_multiple %mul3A_375, 16 : i32
      %jit3A_377 = arith.constant 2 : i32
      %div3A_378 = arith.divsi %select_n3A_242, %jit3A_377 : i32
      %sign3A_379 = arith.constant 0 : i32
      %sign3A_380 = arith.cmpi sgt, %select_n3A_242, %sign3A_379 : i32
      %sign3A_381 = arith.extui %sign3A_380 : i1 to i32
      %sign3A_382 = arith.constant 0 : i32
      %sign3A_383 = arith.cmpi slt, %select_n3A_242, %sign3A_382 : i32
      %sign3A_384 = arith.extui %sign3A_383 : i1 to i32
      %sign3A_385 = arith.subi %sign3A_381, %sign3A_384 : i32
      %sign3A_386 = arith.constant 0 : i32
      %sign3A_387 = arith.cmpi sgt, %jit3A_377, %sign3A_386 : i32
      %sign3A_388 = arith.extui %sign3A_387 : i1 to i32
      %sign3A_389 = arith.constant 0 : i32
      %sign3A_390 = arith.cmpi slt, %jit3A_377, %sign3A_389 : i32
      %sign3A_391 = arith.extui %sign3A_390 : i1 to i32
      %sign3A_392 = arith.subi %sign3A_388, %sign3A_391 : i32
      %ne3A_393 = arith.cmpi ne, %sign3A_385, %sign3A_392 : i32
      %rem3A_394 = arith.remsi %select_n3A_242, %jit3A_377 : i32
      %ne3A_395 = arith.constant 0 : i32
      %ne3A_396 = arith.cmpi ne, %rem3A_394, %ne3A_395 : i32
      %and3A_397 = arith.andi %ne3A_393, %ne3A_396 : i1
      %sub3A_398 = arith.constant 1 : i32
      %sub3A_399 = arith.subi %div3A_378, %sub3A_398 : i32
      %select_n3A_400 = arith.select %and3A_397, %sub3A_399, %div3A_378 : i32
      %mul3A_401 = arith.constant 2 : i32
      %mul3A_402 = arith.muli %select_n3A_400, %mul3A_401 : i32
      %sub3A_403 = arith.subi %select_n3A_242, %mul3A_402 : i32
      %convert_element_type3A_404 = arith.sitofp %sub3A_403 : i32 to f32
      %add3A_405 = arith.addi %multiple_of3A_333, %multiple_of3A_376 : i32
      %get3A_406 = arith.index_cast %add3A_405 : i32 to index
      %get3A_407 = tpu.vector_load %arg16[%get3A_406] {strides = array<i32>} : memref<8208xf32, #tpu.memory_space<vmem>>, vector<16xf32>,
      %mul3A_408 = vector.broadcast %squeeze3A_317 : f32 to vector<16xf32>
      %mul3A_409 = arith.mulf %get3A_407, %mul3A_408 : vector<16xf32>
      %add3A_410 = arith.addi %add3A_335, %multiple_of3A_376 : i32
      %get3A_411 = arith.index_cast %add3A_410 : i32 to index
      %get3A_412 = tpu.vector_load %arg16[%get3A_411] {strides = array<i32>} : memref<8208xf32, #tpu.memory_space<vmem>>, vector<16xf32>,
      %mul3A_413 = vector.broadcast %squeeze3A_322 : f32 to vector<16xf32>
      %mul3A_414 = arith.mulf %get3A_412, %mul3A_413 : vector<16xf32>
      %sub3A_415 = arith.subf %mul3A_409, %mul3A_414 : vector<16xf32>
      %abs3A = math.absf %sub3A_415 : vector<16xf32>
      %mul3A_416 = vector.broadcast %convert_element_type3A_404 : f32 to vector<16xf32>
      %mul3A_417 = arith.mulf %abs3A, %mul3A_416 : vector<16xf32>
      %add3A_418 = arith.addf %while3A_370, %mul3A_417 : vector<16xf32>
      %add3A_419 = arith.addi %multiple_of3A_333, %multiple_of3A : i32
      %get3A_420 = arith.index_cast %add3A_419 : i32 to index
      %get3A_421 = tpu.vector_load %arg16[%get3A_420] {strides = array<i32>} : memref<8208xf32, #tpu.memory_space<vmem>>, vector<16xf32>,
      %mul3A_422 = vector.broadcast %squeeze3A_317 : f32 to vector<16xf32>
      %mul3A_423 = arith.mulf %get3A_421, %mul3A_422 : vector<16xf32>
      %add3A_424 = arith.addi %add3A_335, %multiple_of3A : i32
      %get3A_425 = arith.index_cast %add3A_424 : i32 to index
      %get3A_426 = tpu.vector_load %arg16[%get3A_425] {strides = array<i32>} : memref<8208xf32, #tpu.memory_space<vmem>>, vector<16xf32>,
      %mul3A_427 = vector.broadcast %squeeze3A_322 : f32 to vector<16xf32>
      %mul3A_428 = arith.mulf %get3A_426, %mul3A_427 : vector<16xf32>
      %sub3A_429 = arith.subf %mul3A_423, %mul3A_428 : vector<16xf32>
      %abs3A_430 = math.absf %sub3A_429 : vector<16xf32>
      %mul3A_431 = vector.broadcast %squeeze3A_327 : f32 to vector<16xf32>
      %mul3A_432 = arith.mulf %convert_element_type3A_262, %mul3A_431 : vector<16xf32>
      %mul3A_433 = arith.mulf %abs3A_430, %mul3A_432 : vector<16xf32>
      %add3A_434 = arith.addf %add3A_418, %mul3A_433 : vector<16xf32>
      scf.yield %add3A_434 : vector<16xf32>
    }
    %while3A_304 = arith.constant 1 : i32
    %while3A_305 = scf.for %while3A_309 = %while3A_301 to %while3A_297 step %while3A_304 iter_args(%while3A_310 = %while3A_303) -> (vector<16xf32>)  : i32 {
      %broadcast_in_dim3A_311 = vector.broadcast %while3A_309 : i32 to vector<16xi32>
      %gather3A_312 = tpu.vector_load_idx %arg15[%broadcast_in_dim3A_311] : memref<16xi32, #tpu.memory_space<vmem>>[vector<16xi32>], vector<16xi32>,
      %broadcast_in_dim3A_313 = vector.shape_cast %gather3A_312 : vector<16xi32> to vector<16x1xi32>
      %gather3A_314 = vector.shape_cast %broadcast_in_dim3A_313 : vector<16x1xi32> to vector<16xi32>
      %gather3A_315 = tpu.dynamic_gather %convert_element_type3A_140[%gather3A_314] in [0] : vector<16xf32>, vector<16xi32> -> vector<16xf32>
      %slice3A_316 = vector.extract_strided_slice %gather3A_315 {offsets = [0], sizes = [1], strides = [1]} : vector<16xf32> to vector<1xf32>
      %squeeze3A_317 = vector.extract %slice3A_316[0] : f32 from vector<1xf32>
      %broadcast_in_dim3A_318 = vector.shape_cast %gather3A_312 : vector<16xi32> to vector<16x1xi32>
      %gather3A_319 = vector.shape_cast %broadcast_in_dim3A_318 : vector<16x1xi32> to vector<16xi32>
      %gather3A_320 = tpu.dynamic_gather %convert_element_type3A_145[%gather3A_319] in [0] : vector<16xf32>, vector<16xi32> -> vector<16xf32>
      %slice3A_321 = vector.extract_strided_slice %gather3A_320 {offsets = [0], sizes = [1], strides = [1]} : vector<16xf32> to vector<1xf32>
      %squeeze3A_322 = vector.extract %slice3A_321[0] : f32 from vector<1xf32>
      %broadcast_in_dim3A_323 = vector.shape_cast %gather3A_312 : vector<16xi32> to vector<16x1xi32>
      %gather3A_324 = vector.shape_cast %broadcast_in_dim3A_323 : vector<16x1xi32> to vector<16xi32>
      %gather3A_325 = tpu.dynamic_gather %select_n3A_254[%gather3A_324] in [0] : vector<16xf32>, vector<16xi32> -> vector<16xf32>
      %slice3A_326 = vector.extract_strided_slice %gather3A_325 {offsets = [0], sizes = [1], strides = [1]} : vector<16xf32> to vector<1xf32>
      %squeeze3A_327 = vector.extract %slice3A_326[0] : f32 from vector<1xf32>
      %broadcast_in_dim3A_328 = vector.shape_cast %gather3A_312 : vector<16xi32> to vector<16x1xi32>
      %gather3A_329 = vector.shape_cast %broadcast_in_dim3A_328 : vector<16x1xi32> to vector<16xi32>
      %gather3A_330 = tpu.dynamic_gather %mul3A_152[%gather3A_329] in [0] : vector<16xi32>, vector<16xi32> -> vector<16xi32>
      %slice3A_331 = vector.extract_strided_slice %gather3A_330 {offsets = [0], sizes = [1], strides = [1]} : vector<16xi32> to vector<1xi32>
      %squeeze3A_332 = vector.extract %slice3A_331[0] : i32 from vector<1xi32>
      %multiple_of3A_333 = tpu.assume_multiple %squeeze3A_332, 256 : i32
      %add3A_334 = arith.constant 2048 : i32
      %add3A_335 = arith.addi %multiple_of3A_333, %add3A_334 : i32
      %jit3A_336 = arith.constant 2 : i32
      %div3A_337 = arith.divsi %select_n3A_242, %jit3A_336 : i32
      %sign3A_338 = arith.constant 0 : i32
      %sign3A_339 = arith.cmpi sgt, %select_n3A_242, %sign3A_338 : i32
      %sign3A_340 = arith.extui %sign3A_339 : i1 to i32
      %sign3A_341 = arith.constant 0 : i32
      %sign3A_342 = arith.cmpi slt, %select_n3A_242, %sign3A_341 : i32
      %sign3A_343 = arith.extui %sign3A_342 : i1 to i32
      %sign3A_344 = arith.subi %sign3A_340, %sign3A_343 : i32
      %sign3A_345 = arith.constant 0 : i32
      %sign3A_346 = arith.cmpi sgt, %jit3A_336, %sign3A_345 : i32
      %sign3A_347 = arith.extui %sign3A_346 : i1 to i32
      %sign3A_348 = arith.constant 0 : i32
      %sign3A_349 = arith.cmpi slt, %jit3A_336, %sign3A_348 : i32
      %sign3A_350 = arith.extui %sign3A_349 : i1 to i32
      %sign3A_351 = arith.subi %sign3A_347, %sign3A_350 : i32
      %ne3A_352 = arith.cmpi ne, %sign3A_344, %sign3A_351 : i32
      %rem3A_353 = arith.remsi %select_n3A_242, %jit3A_336 : i32
      %ne3A_354 = arith.constant 0 : i32
      %ne3A_355 = arith.cmpi ne, %rem3A_353, %ne3A_354 : i32
      %and3A_356 = arith.andi %ne3A_352, %ne3A_355 : i1
      %sub3A_357 = arith.constant 1 : i32
      %sub3A_358 = arith.subi %div3A_337, %sub3A_357 : i32
      %select_n3A_359 = arith.select %and3A_356, %sub3A_358, %div3A_337 : i32
      %while3A_360 = arith.constant 0 : i32
      %while3A_361 = arith.subi %select_n3A_359, %while3A_360 : i32
      %while3A_362 = arith.addi %while3A_360, %while3A_361 : i32
      %while3A_363 = arith.constant 1 : i32
      %while3A_364 = arith.divsi %while3A_361, %while3A_363 : i32
      %while3A_365 = arith.muli %while3A_364, %while3A_363 : i32
      %while3A_366 = arith.addi %while3A_360, %while3A_365 : i32
      %while3A_367 = arith.constant 1 : i32
      %while3A_368 = scf.for %while3A_435 = %while3A_360 to %while3A_366 step %while3A_367 iter_args(%while3A_436 = %while3A_310) -> (vector<16xf32>)  : i32 {
        %mul3A_437 = arith.constant 32 : i32
        %mul3A_438 = arith.muli %while3A_435, %mul3A_437 : i32
        %add3A_439 = arith.addi %multiple_of3A_333, %mul3A_438 : i32
        %get3A_440 = arith.index_cast %add3A_439 : i32 to index
        %get3A_441 = tpu.vector_load %arg16[%get3A_440] {strides = array<i32>} : memref<8208xf32, #tpu.memory_space<vmem>>, vector<16xf32>,
        %mul3A_442 = vector.broadcast %squeeze3A_317 : f32 to vector<16xf32>
        %mul3A_443 = arith.mulf %get3A_441, %mul3A_442 : vector<16xf32>
        %mul3A_444 = arith.constant 32 : i32
        %mul3A_445 = arith.muli %while3A_435, %mul3A_444 : i32
        %add3A_446 = arith.addi %add3A_335, %mul3A_445 : i32
        %get3A_447 = arith.index_cast %add3A_446 : i32 to index
        %get3A_448 = tpu.vector_load %arg16[%get3A_447] {strides = array<i32>} : memref<8208xf32, #tpu.memory_space<vmem>>, vector<16xf32>,
        %mul3A_449 = vector.broadcast %squeeze3A_322 : f32 to vector<16xf32>
        %mul3A_450 = arith.mulf %get3A_448, %mul3A_449 : vector<16xf32>
        %mul3A_451 = arith.constant 32 : i32
        %mul3A_452 = arith.muli %while3A_435, %mul3A_451 : i32
        %add3A_453 = arith.addi %multiple_of3A_333, %mul3A_452 : i32
        %add3A_454 = arith.constant 16 : i32
        %add3A_455 = arith.addi %add3A_453, %add3A_454 : i32
        %get3A_456 = arith.index_cast %add3A_455 : i32 to index
        %get3A_457 = tpu.vector_load %arg16[%get3A_456] {strides = array<i32>} : memref<8208xf32, #tpu.memory_space<vmem>>, vector<16xf32>,
        %mul3A_458 = vector.broadcast %squeeze3A_317 : f32 to vector<16xf32>
        %mul3A_459 = arith.mulf %get3A_457, %mul3A_458 : vector<16xf32>
        %mul3A_460 = arith.constant 32 : i32
        %mul3A_461 = arith.muli %while3A_435, %mul3A_460 : i32
        %add3A_462 = arith.addi %add3A_335, %mul3A_461 : i32
        %add3A_463 = arith.constant 16 : i32
        %add3A_464 = arith.addi %add3A_462, %add3A_463 : i32
        %get3A_465 = arith.index_cast %add3A_464 : i32 to index
        %get3A_466 = tpu.vector_load %arg16[%get3A_465] {strides = array<i32>} : memref<8208xf32, #tpu.memory_space<vmem>>, vector<16xf32>,
        %mul3A_467 = vector.broadcast %squeeze3A_322 : f32 to vector<16xf32>
        %mul3A_468 = arith.mulf %get3A_466, %mul3A_467 : vector<16xf32>
        %sub3A_469 = arith.subf %mul3A_443, %mul3A_450 : vector<16xf32>
        %abs3A_470 = math.absf %sub3A_469 : vector<16xf32>
        %add3A_471 = arith.addf %while3A_436, %abs3A_470 : vector<16xf32>
        %sub3A_472 = arith.subf %mul3A_459, %mul3A_468 : vector<16xf32>
        %abs3A_473 = math.absf %sub3A_472 : vector<16xf32>
        %add3A_474 = arith.addf %add3A_471, %abs3A_473 : vector<16xf32>
        scf.yield %add3A_474 : vector<16xf32>
      }
      %while3A_369 = arith.constant 1 : i32
      %while3A_370 = scf.for %while3A_435 = %while3A_366 to %while3A_362 step %while3A_369 iter_args(%while3A_436 = %while3A_368) -> (vector<16xf32>)  : i32 {
        %mul3A_437 = arith.constant 32 : i32
        %mul3A_438 = arith.muli %while3A_435, %mul3A_437 : i32
        %add3A_439 = arith.addi %multiple_of3A_333, %mul3A_438 : i32
        %get3A_440 = arith.index_cast %add3A_439 : i32 to index
        %get3A_441 = tpu.vector_load %arg16[%get3A_440] {strides = array<i32>} : memref<8208xf32, #tpu.memory_space<vmem>>, vector<16xf32>,
        %mul3A_442 = vector.broadcast %squeeze3A_317 : f32 to vector<16xf32>
        %mul3A_443 = arith.mulf %get3A_441, %mul3A_442 : vector<16xf32>
        %mul3A_444 = arith.constant 32 : i32
        %mul3A_445 = arith.muli %while3A_435, %mul3A_444 : i32
        %add3A_446 = arith.addi %add3A_335, %mul3A_445 : i32
        %get3A_447 = arith.index_cast %add3A_446 : i32 to index
        %get3A_448 = tpu.vector_load %arg16[%get3A_447] {strides = array<i32>} : memref<8208xf32, #tpu.memory_space<vmem>>, vector<16xf32>,
        %mul3A_449 = vector.broadcast %squeeze3A_322 : f32 to vector<16xf32>
        %mul3A_450 = arith.mulf %get3A_448, %mul3A_449 : vector<16xf32>
        %mul3A_451 = arith.constant 32 : i32
        %mul3A_452 = arith.muli %while3A_435, %mul3A_451 : i32
        %add3A_453 = arith.addi %multiple_of3A_333, %mul3A_452 : i32
        %add3A_454 = arith.constant 16 : i32
        %add3A_455 = arith.addi %add3A_453, %add3A_454 : i32
        %get3A_456 = arith.index_cast %add3A_455 : i32 to index
        %get3A_457 = tpu.vector_load %arg16[%get3A_456] {strides = array<i32>} : memref<8208xf32, #tpu.memory_space<vmem>>, vector<16xf32>,
        %mul3A_458 = vector.broadcast %squeeze3A_317 : f32 to vector<16xf32>
        %mul3A_459 = arith.mulf %get3A_457, %mul3A_458 : vector<16xf32>
        %mul3A_460 = arith.constant 32 : i32
        %mul3A_461 = arith.muli %while3A_435, %mul3A_460 : i32
        %add3A_462 = arith.addi %add3A_335, %mul3A_461 : i32
        %add3A_463 = arith.constant 16 : i32
        %add3A_464 = arith.addi %add3A_462, %add3A_463 : i32
        %get3A_465 = arith.index_cast %add3A_464 : i32 to index
        %get3A_466 = tpu.vector_load %arg16[%get3A_465] {strides = array<i32>} : memref<8208xf32, #tpu.memory_space<vmem>>, vector<16xf32>,
        %mul3A_467 = vector.broadcast %squeeze3A_322 : f32 to vector<16xf32>
        %mul3A_468 = arith.mulf %get3A_466, %mul3A_467 : vector<16xf32>
        %sub3A_469 = arith.subf %mul3A_443, %mul3A_450 : vector<16xf32>
        %abs3A_470 = math.absf %sub3A_469 : vector<16xf32>
        %add3A_471 = arith.addf %while3A_436, %abs3A_470 : vector<16xf32>
        %sub3A_472 = arith.subf %mul3A_459, %mul3A_468 : vector<16xf32>
        %abs3A_473 = math.absf %sub3A_472 : vector<16xf32>
        %add3A_474 = arith.addf %add3A_471, %abs3A_473 : vector<16xf32>
        scf.yield %add3A_474 : vector<16xf32>
      }
      %sub3A_371 = arith.constant 1 : i32
      %sub3A_372 = arith.subi %select_n3A_242, %sub3A_371 : i32
      %max3A = arith.constant 0 : i32
      %max3A_373 = arith.maxsi %sub3A_372, %max3A : i32
      %mul3A_374 = arith.constant 16 : i32
      %mul3A_375 = arith.muli %max3A_373, %mul3A_374 : i32
      %multiple_of3A_376 = tpu.assume_multiple %mul3A_375, 16 : i32
      %jit3A_377 = arith.constant 2 : i32
      %div3A_378 = arith.divsi %select_n3A_242, %jit3A_377 : i32
      %sign3A_379 = arith.constant 0 : i32
      %sign3A_380 = arith.cmpi sgt, %select_n3A_242, %sign3A_379 : i32
      %sign3A_381 = arith.extui %sign3A_380 : i1 to i32
      %sign3A_382 = arith.constant 0 : i32
      %sign3A_383 = arith.cmpi slt, %select_n3A_242, %sign3A_382 : i32
      %sign3A_384 = arith.extui %sign3A_383 : i1 to i32
      %sign3A_385 = arith.subi %sign3A_381, %sign3A_384 : i32
      %sign3A_386 = arith.constant 0 : i32
      %sign3A_387 = arith.cmpi sgt, %jit3A_377, %sign3A_386 : i32
      %sign3A_388 = arith.extui %sign3A_387 : i1 to i32
      %sign3A_389 = arith.constant 0 : i32
      %sign3A_390 = arith.cmpi slt, %jit3A_377, %sign3A_389 : i32
      %sign3A_391 = arith.extui %sign3A_390 : i1 to i32
      %sign3A_392 = arith.subi %sign3A_388, %sign3A_391 : i32
      %ne3A_393 = arith.cmpi ne, %sign3A_385, %sign3A_392 : i32
      %rem3A_394 = arith.remsi %select_n3A_242, %jit3A_377 : i32
      %ne3A_395 = arith.constant 0 : i32
      %ne3A_396 = arith.cmpi ne, %rem3A_394, %ne3A_395 : i32
      %and3A_397 = arith.andi %ne3A_393, %ne3A_396 : i1
      %sub3A_398 = arith.constant 1 : i32
      %sub3A_399 = arith.subi %div3A_378, %sub3A_398 : i32
      %select_n3A_400 = arith.select %and3A_397, %sub3A_399, %div3A_378 : i32
      %mul3A_401 = arith.constant 2 : i32
      %mul3A_402 = arith.muli %select_n3A_400, %mul3A_401 : i32
      %sub3A_403 = arith.subi %select_n3A_242, %mul3A_402 : i32
      %convert_element_type3A_404 = arith.sitofp %sub3A_403 : i32 to f32
      %add3A_405 = arith.addi %multiple_of3A_333, %multiple_of3A_376 : i32
      %get3A_406 = arith.index_cast %add3A_405 : i32 to index
      %get3A_407 = tpu.vector_load %arg16[%get3A_406] {strides = array<i32>} : memref<8208xf32, #tpu.memory_space<vmem>>, vector<16xf32>,
      %mul3A_408 = vector.broadcast %squeeze3A_317 : f32 to vector<16xf32>
      %mul3A_409 = arith.mulf %get3A_407, %mul3A_408 : vector<16xf32>
      %add3A_410 = arith.addi %add3A_335, %multiple_of3A_376 : i32
      %get3A_411 = arith.index_cast %add3A_410 : i32 to index
      %get3A_412 = tpu.vector_load %arg16[%get3A_411] {strides = array<i32>} : memref<8208xf32, #tpu.memory_space<vmem>>, vector<16xf32>,
      %mul3A_413 = vector.broadcast %squeeze3A_322 : f32 to vector<16xf32>
      %mul3A_414 = arith.mulf %get3A_412, %mul3A_413 : vector<16xf32>
      %sub3A_415 = arith.subf %mul3A_409, %mul3A_414 : vector<16xf32>
      %abs3A = math.absf %sub3A_415 : vector<16xf32>
      %mul3A_416 = vector.broadcast %convert_element_type3A_404 : f32 to vector<16xf32>
      %mul3A_417 = arith.mulf %abs3A, %mul3A_416 : vector<16xf32>
      %add3A_418 = arith.addf %while3A_370, %mul3A_417 : vector<16xf32>
      %add3A_419 = arith.addi %multiple_of3A_333, %multiple_of3A : i32
      %get3A_420 = arith.index_cast %add3A_419 : i32 to index
      %get3A_421 = tpu.vector_load %arg16[%get3A_420] {strides = array<i32>} : memref<8208xf32, #tpu.memory_space<vmem>>, vector<16xf32>,
      %mul3A_422 = vector.broadcast %squeeze3A_317 : f32 to vector<16xf32>
      %mul3A_423 = arith.mulf %get3A_421, %mul3A_422 : vector<16xf32>
      %add3A_424 = arith.addi %add3A_335, %multiple_of3A : i32
      %get3A_425 = arith.index_cast %add3A_424 : i32 to index
      %get3A_426 = tpu.vector_load %arg16[%get3A_425] {strides = array<i32>} : memref<8208xf32, #tpu.memory_space<vmem>>, vector<16xf32>,
      %mul3A_427 = vector.broadcast %squeeze3A_322 : f32 to vector<16xf32>
      %mul3A_428 = arith.mulf %get3A_426, %mul3A_427 : vector<16xf32>
      %sub3A_429 = arith.subf %mul3A_423, %mul3A_428 : vector<16xf32>
      %abs3A_430 = math.absf %sub3A_429 : vector<16xf32>
      %mul3A_431 = vector.broadcast %squeeze3A_327 : f32 to vector<16xf32>
      %mul3A_432 = arith.mulf %convert_element_type3A_262, %mul3A_431 : vector<16xf32>
      %mul3A_433 = arith.mulf %abs3A_430, %mul3A_432 : vector<16xf32>
      %add3A_434 = arith.addf %add3A_418, %mul3A_433 : vector<16xf32>
      scf.yield %add3A_434 : vector<16xf32>
    }
    %mul3A_306 = arith.mulf %while3A_305, %div3A_190 : vector<16xf32>
    %swap3A_307 = arith.constant 0 : index
    %swap3A_308 = tpu.vector_load %arg17[%swap3A_307] {strides = array<i32>} : memref<16xf32, #tpu.memory_space<vmem>>, vector<16xf32>,
    tpu.vector_store %arg17[%swap3A_307], %mul3A_306 {strides = array<i32>} : memref<16xf32, #tpu.memory_space<vmem>>, vector<16xf32>,
    "tpu.region"() ({
      %run_scoped3A = tpu.sem_alloc : memref<!tpu.dma_semaphore, #tpu.memory_space<semaphore_mem>>
      %dma_start3A_309 = arith.constant 0 : i32
      %dma_start3A_310 = tpu.memref_slice %arg9[%add3A, %dma_start3A_309] : memref<32x16xf32, #tpu.memory_space<hbm>> -> memref<1x16xf32, #tpu.memory_space<hbm>>
      %dma_start3A_311 = tpu.memref_squeeze %dma_start3A_310 : memref<1x16xf32, #tpu.memory_space<hbm>> -> memref<16xf32, #tpu.memory_space<hbm>>
      %dma_start3A_312 = arith.constant 0 : i32
      %dma_start3A_313 = tpu.memref_slice %arg9[%add3A, %dma_start3A_312] : memref<32x16xf32, #tpu.memory_space<hbm>> -> memref<1x16xf32, #tpu.memory_space<hbm>>
      %dma_start3A_314 = tpu.memref_squeeze %dma_start3A_313 : memref<1x16xf32, #tpu.memory_space<hbm>> -> memref<16xf32, #tpu.memory_space<hbm>>
      tpu.enqueue_dma source(%arg17 : memref<16xf32, #tpu.memory_space<vmem>>) target(%dma_start3A_314 : memref<16xf32, #tpu.memory_space<hbm>>) target_semaphore(%run_scoped3A : memref<!tpu.dma_semaphore, #tpu.memory_space<semaphore_mem>>)
      %dma_wait3A_315 = arith.constant 0 : i32
      %dma_wait3A_316 = tpu.memref_slice %arg9[%add3A, %dma_wait3A_315] : memref<32x16xf32, #tpu.memory_space<hbm>> -> memref<1x16xf32, #tpu.memory_space<hbm>>
      %dma_wait3A_317 = tpu.memref_squeeze %dma_wait3A_316 : memref<1x16xf32, #tpu.memory_space<hbm>> -> memref<16xf32, #tpu.memory_space<hbm>>
      %dma_wait3A_318 = arith.constant 0 : i32
      %dma_wait3A_319 = tpu.memref_slice %arg9[%add3A, %dma_wait3A_318] : memref<32x16xf32, #tpu.memory_space<hbm>> -> memref<1x16xf32, #tpu.memory_space<hbm>>
      %dma_wait3A_320 = tpu.memref_squeeze %dma_wait3A_319 : memref<1x16xf32, #tpu.memory_space<hbm>> -> memref<16xf32, #tpu.memory_space<hbm>>
      tpu.wait_dma2 semaphore(%run_scoped3A : memref<!tpu.dma_semaphore, #tpu.memory_space<semaphore_mem>>) src(%arg17 : memref<16xf32, #tpu.memory_space<vmem>>) dst(%dma_wait3A_320 : memref<16xf32, #tpu.memory_space<hbm>>)
      tpu.yield
    }) : () -> ()
    return
  }
}

</mosaic_0001>

<sc_bundles>
// kernel: kernel.3.cloned.1.call-start
scs
__scs_entry_jumppad:
0x0: {  	(pc) =	sbr.rel $0x88, $3  }
0x1: {  	(tag) =	ssettag $0x0;
	lr =	simm.s32 $0x1  }
0x2: {  	[smem:$0x3F9A] =	sst lr;
	_ =	strace $0xD0000000  }
0x3: {  	_ = 	snop  }
0x4: {  	_ = 	snop  }
0x5: {  	_ = 	snop  }
0x6: {  	_ = 	snop  }
0x7: {  	_ = 	snop  }
__scs_overlays_trampoline_lowered:
0x8: {  	[smem:$0x3FA9] =	sst s0  }
0x9: {  	[smem:$0x3FAA] =	sst s1  }
0xa: {  	[smem:$0x3FAB] =	sst s2  }
0xb: {  	[smem:$0x3FAC] =	sst s3  }
0xc: {  	[smem:$0x3FAD] =	sst s4  }
0xd: {  	[smem:$0x3FAE] =	sst s5  }
0xe: {  	[smem:$0x3FAF] =	sst s6  }
0xf: {  	[smem:$0x3FB0] =	sst s7  }
0x10: {  	[smem:$0x3FB1] =	sst s8  }
0x11: {  	[smem:$0x3FB2] =	sst s9;
	s0 =	simm.s32 @!p0 $0x0  }
0x12: {  	s1 =	sld [smem:$0x3F98];
	s0 =	simm.s32 @p0 $0x1  }
0x13: {  	[smem:$0x3FB3] =	sst s0;
	s0 =	simm.s32 @!p1 $0x0  }
0x14: {  	s2 =	sld [smem:$0x3F97];
	s0 =	simm.s32 @p1 $0x1  }
0x15: {  	[smem:$0x3FB4] =	sst s0;
	s0 =	simm.s32 @!p2 $0x0  }
0x16: {  	s3 =	sld [smem:$0x3FDB];
	s0 =	simm.s32 @p2 $0x1  }
0x17: {  	s4 =	simm.s32 $0x1BF5;
	[smem:$0x3FB6] =	sst s0  }
0x18: {  	s0 =	sld [smem:$0x3F99];
	_ =	swait.ge [sflag:s4], $0x0  }
0x19: {  	s7 =	sld [smem:$0x3F9A]  }
0x1a: {  	s8 =	sadd.s32 $0xFFFFE003, lr  }
0x1b: {  	s9 =	sadd.s32 $0xFFFFFEF7, lr;
	s5 =	simm.s32 $0xFFFFFFFF;
	p2 =	slt.u32 s8, $0xFFFFF086  }
0x1c: {  	p1 =	slt.u32 s9, $0xF7A;
	s5 =	simm.s32 @!p2 $0x0  }
0x1d: {  	s5 =	simm.s32 @p1 $0x1;
	p0 =	seq.s32 s7, s2  }
0x1e: {  	s7 =	smul.u32 @!p0 $0xF7A, s2;
	p2 =	seq.s32 @!p0 s5, $0x0  }
0x1f: {  	s9 =	smul.u32 $0xF7A, s1;
	s8 =	simm.s32 @!p0 $0x1BF5;
	p2 =	por !p2, p0  }
0x20: {  	[sflag:s8] =	ssyncset.s32 @!p0 $0xFFFFF086;
	s6 =	sadd.s32 @!p0 s3, s7;
	s7 =	simm.s32 @!p0 $0x108  }
0x21: {  	s3 =	sadd.s32 s3, s9;
	s6 =	sadd.s32 @!p0 $0x88, s6;
	s7 =	simm.s32 @p2 $0x1082  }
0x22: {  	[simem:s7], [sflag:s8] =	dma.local @!p0 [hbm:s6], $0xF7A  }
0x23: {  	s9 =	sor.u32 $0xD0000000, s2;
	s6 =	simm.s32 $0x108;
	_ =	swait.ge @!p0 [sflag:s8], $0x0  }
0x24: {  	s3 =	sadd.s32 $0x88, s3;
	s6 =	simm.s32 @!p1 $0x1082;
	[sflag:s4] =	ssyncset.s32 $0xFFFFF086  }
0x25: {  	[simem:s6], [sflag:s4] =	dma.local [hbm:s3], $0xF7A  }
0x26: {  	[smem:$0x3F9A] =	sst s1;
	(tag) =	ssettag s2;
	_ =	strace s9  }
0x27: {  	s1 =	sld [smem:$0x3FAA]  }
0x28: {  	s2 =	sld [smem:$0x3FAB]  }
0x29: {  	s4 =	sld [smem:$0x3FAD]  }
0x2a: {  	p0 =	seq.s32 s5, $0x0;
	s5 =	sld [smem:$0x3FAE]  }
0x2b: {  	s6 =	sld [smem:$0x3FAF]  }
0x2c: {  	s7 =	sld [smem:$0x3FB0]  }
0x2d: {  	s3 =	simm.s32 $0x108;
	s8 =	sld [smem:$0x3FB1]  }
0x2e: {  	s3 =	simm.s32 @!p0 $0x1082;
	s9 =	sld [smem:$0x3FB2]  }
0x2f: {  	lr =	sadd.s32 s0, s3;
	s0 =	sld [smem:$0x3FA9]  }
0x30: {  	s3 =	sld [smem:$0x3FAC]  }
0x31: {  	[smem:$0x3FB5] =	sst s10  }
0x32: {  	s10 =	sld [smem:$0x3FB3];
	_ =	sdelay $0x3  }
0x33: {  	p0 =	seq.s32 s10, $0x1;
	s10 =	sld [smem:$0x3FB5];
	_ =	sdelay $0x3  }
0x34: {  	[smem:$0x3FB5] =	sst s10  }
0x35: {  	s10 =	sld [smem:$0x3FB4];
	_ =	sdelay $0x3  }
0x36: {  	p1 =	seq.s32 s10, $0x1;
	s10 =	sld [smem:$0x3FB5];
	_ =	sdelay $0x3  }
0x37: {  	[smem:$0x3FB5] =	sst s10  }
0x38: {  	s10 =	sld [smem:$0x3FB6]  }
0x39: {  	_ = 	snop;
	(pc) =	sbr.ind lr, $3  }
0x3a: {  	_ = 	snop  }
0x3b: {  	_ = 	snop  }
0x3c: {  	p2 =	seq.s32 s10, $0x1;
	s10 =	sld [smem:$0x3FB5]  }
0x3d: {  	_ =	shalt  }
0x3e: {  	_ =	shalt  }
0x3f: {  	_ =	shalt  }
0x40: {  	_ =	shalt  }
0x41: {  	_ =	shalt  }
0x42: {  	_ =	shalt  }
0x43: {  	_ =	shalt  }
0x44: {  	_ =	shalt  }
0x45: {  	_ =	shalt  }
0x46: {  	_ =	shalt  }
0x47: {  	_ =	shalt  }
0x48: {  	_ =	shalt  }
0x49: {  	_ =	shalt  }
0x4a: {  	_ =	shalt  }
0x4b: {  	_ =	shalt  }
0x4c: {  	_ =	shalt  }
0x4d: {  	_ =	shalt  }
0x4e: {  	_ =	shalt  }
0x4f: {  	_ =	shalt  }
0x50: {  	_ =	shalt  }
0x51: {  	_ =	shalt  }
0x52: {  	_ =	shalt  }
0x53: {  	_ =	shalt  }
0x54: {  	_ =	shalt  }
0x55: {  	_ =	shalt  }
0x56: {  	_ =	shalt  }
0x57: {  	_ =	shalt  }
0x58: {  	_ =	shalt  }
0x59: {  	_ =	shalt  }
0x5a: {  	_ =	shalt  }
0x5b: {  	_ =	shalt  }
0x5c: {  	_ =	shalt  }
0x5d: {  	_ =	shalt  }
0x5e: {  	_ =	shalt  }
0x5f: {  	_ =	shalt  }
0x60: {  	_ =	shalt  }
0x61: {  	_ =	shalt  }
0x62: {  	_ =	shalt  }
0x63: {  	_ =	shalt  }
0x64: {  	_ =	shalt  }
0x65: {  	_ =	shalt  }
0x66: {  	_ =	shalt  }
0x67: {  	_ =	shalt  }
0x68: {  	_ =	shalt  }
0x69: {  	_ =	shalt  }
0x6a: {  	_ =	shalt  }
0x6b: {  	_ =	shalt  }
0x6c: {  	_ =	shalt  }
0x6d: {  	_ =	shalt  }
0x6e: {  	_ =	shalt  }
0x6f: {  	_ =	shalt  }
0x70: {  	_ =	shalt  }
0x71: {  	_ =	shalt  }
0x72: {  	_ =	shalt  }
0x73: {  	_ =	shalt  }
0x74: {  	_ =	shalt  }
0x75: {  	_ =	shalt  }
0x76: {  	_ =	shalt  }
0x77: {  	_ =	shalt  }
0x78: {  	_ =	shalt  }
0x79: {  	_ =	shalt  }
0x7a: {  	_ =	shalt  }
0x7b: {  	_ =	shalt  }
0x7c: {  	_ =	shalt  }
0x7d: {  	_ =	shalt  }
0x7e: {  	_ =	shalt  }
0x7f: {  	_ =	shalt  }
0x80: {  	_ =	shalt  }
0x81: {  	_ =	shalt  }
0x82: {  	_ =	shalt  }
0x83: {  	_ =	shalt  }
0x84: {  	_ =	shalt  }
0x85: {  	_ =	shalt  }
0x86: {  	_ =	shalt  }
0x87: {  	_ =	shalt  }
.Lfunc_end0:
.L_simem_size_0:
called_computation_lowered:
.L_overlay_start_0:
0x88: {  	s2 =	sld [smem:$0x3FD9]  }
0x89: {  	s3 =	sld [smem:$0x3FFE];
	_ =	sdelay $0x1  }
0x8a: {  	s1 =	srdreg.scid  }
0x8b: {  	s0 =	sand.u32 $0x1, s1  }
0x8c: {  	s17 =	sshll.u32 s0, $0xA;
	s2 =	sadd.s32 s3, s2  }
0x8d: {  	s2 =	sadd.s32 s2, s17  }
0x8e: {  	[smem:$0x3FC1] =	sst s2  }
0x8f: {  	_ = 	snop  }
0x90: {  	s2 =	sld [smem:$0x3FC9]  }
0x91: {  	s18 =	sld [smem:$0x3FC8]  }
0x92: {  	s4 =	sld [smem:$0x3FC7]  }
0x93: {  	s5 =	sld [smem:$0x3FC6]  }
0x94: {  	s6 =	sld [smem:$0x3FC5]  }
0x95: {  	s7 =	sld [smem:$0x3FC4]  }
0x96: {  	s8 =	sld [smem:$0x3FC3];
	(tm) =	ssettm $0x1  }
0x97: {  	s9 =	sld [smem:$0x3FFB];
	_ =	sdelay $0x3  }
0x98: {  	_ =	strace s9  }
0x99: {  	s9 =	sld [smem:$0x3FFC];
	_ =	sdelay $0x3  }
0x9a: {  	_ =	strace s9  }
0x9b: {  	s9 =	sld [smem:$0x3FFD];
	_ =	sdelay $0x3  }
0x9c: {  	_ =	strace s9  }
0x9d: {  	_ =	strace $0x8FFFFFFF  }
0x9e: {  	s19 =	sld [smem:$0x3FDB];
	_ =	sdelay $0x1  }
0x9f: {  	s10 =	simm.s32 $_scs_section_size  }
0xa0: {  	s11 =	simm.s32 $_size__tile_overlayer_lowered;
	s12 =	simm.s32 $_tile_overlayer_lowered  }
0xa1: {  	s22 =	simm.s32 $0x1BFF;
	s21 =	sshll.u32 s12, $0x1;
	s9 =	sadd.s32 s10, s19  }
0xa2: {  	s13 =	simm.s32 $0x0;
	s20 =	sshll.u32 s11, $0x1;
	s11 =	sadd.s32 s21, s9  }
0xa3: {  	[timem:s13], [sflag:s22] =	dma.local [hbm:s11], s20  }
0xa4: {  	_ =	swait.ge [sflag:s22], s20  }
0xa5: {  	s10 =	ssub.s32 $0x0, s20;
	[sflag:s22] =	ssyncset.done $0x0  }
0xa6: {  	[sflag:s22] =	ssyncadd.s32 s10;
	_ =	sdelay $0x1  }
0xa7: {  	s23 =	simm.s32 $0x1B8B  }
0xa8: {  	_ =	swait.ge [sflag:s23], $0x1  }
0xa9: {  	[sflag:s23] =	ssyncset.done $0x0  }
0xaa: {  	s25 =	simm.s32 $0x1B8E;
	s24 =	sld [smem:$0x3FFE];
	[sflag:s23] =	ssyncadd.s32 $0xFFFFFFFF  }
0xab: {  	s26 =	simm.s32 $execute0_lowered;
	[smem:$0x3FD2] =	sst s25  }
0xac: {  	s11 =	sshll.u32 s26, $0x1;
	_ =	strace $0x80000046;
	[dreg:$0x1] =	wrdreg $0xFFFFFFFF  }
0xad: {  	s28 =	simm.s32 $_size_execute0_lowered;
	s9 =	sadd.s32 s9, s11;
	[dreg:$0x0] =	wrdreg $0x0  }
0xae: {  	s11 =	sshll.u32 s28, $0x1;
	[dreg:$0x2] =	wrdreg s9  }
0xaf: {  	[dreg:$0x3] =	wrdreg s11  }
0xb0: {  	[dreg:$0x4] =	wrdreg $0xC0  }
0xb1: {  	_ =	task [dreg:s13], $0x5FFFF  }
0xb2: {  	[dreg:$0x1] =	wrdreg $0xFFFFFFFF  }
0xb3: {  	[dreg:$0x0] =	wrdreg $0x60  }
0xb4: {  	[dreg:$0x2] =	wrdreg s2  }
0xb5: {  	[dreg:$0x3] =	wrdreg s18  }
0xb6: {  	[dreg:$0x4] =	wrdreg s4  }
0xb7: {  	[dreg:$0x5] =	wrdreg s8  }
0xb8: {  	[dreg:$0x6] =	wrdreg s7  }
0xb9: {  	[dreg:$0x7] =	wrdreg s5  }
0xba: {  	[dreg:$0x8] =	wrdreg s6  }
0xbb: {  	[dreg:$0x9] =	wrdreg s24  }
0xbc: {  	[dreg:$0xa] =	wrdreg $0x9  }
0xbd: {  	_ =	task.clear_ibuf [dreg:s13], $0xBFFFF;
	_ =	strace $0x90000046  }
0xbe: {  	s29 =	simm.s32 $0x9;
	_ =	strace $0x80000048  }
0xbf: {  	_ =	swait.ge [sflag:s29], $0x1  }
0xc0: {  	[sflag:s29] =	ssyncadd.s32 $0xFFFFFFFF  }
0xc1: {  	_ =	strace $0x90000048  }
0xc2: {  	_ =	sfence  }
0xc3: {  	s30 =	sld [smem:$0x0];
	_ =	sdelay $0x2  }
0xc4: {  	s31 =	sshll.u32 s1, $0xD;
	s1 =	sshrl.u32 s1, $0x2  }
0xc5: {  	s3 =	sand.u32 $0x4000, s31;
	s1 =	sadd.s32 s1, s30  }
0xc6: {  	s0 =	sor.u32 s3, s0;
	s1 =	sshll.u32 s1, $0x11  }
0xc7: {  	s0 =	sor.u32 s1, s0  }
0xc8: {  	s0 =	sadd.s32 $0x8F2B, s0  }
0xc9: {  	[sflag:s0] =	ssyncadd.remote.s32 $0x1  }
0xca: {  	_ =	sfence.sel $0xFFFF  }
0xcb: {  	[dreg:$0x0] =	wrdreg $0xFFFFFFFF;
	(pc) =	sbr.abs _section_cstart, $3  }
0xcc: {  	[dreg:$0x1] =	wrdreg $0xFFFFFFFF  }
0xcd: {  	_ =	task.clear_ibuf [dreg:s13], $0x2FFFF;
	_ =	strace $0x9FFFFFFF  }
0xce: {  	(tm) =	ssettm $0x7FFFFFFF  }
0xcf: {  	_ =	shalt  }
tec
execute0_lowered:
.L_overlay_start_1:
0x0: {  	(tag) =	ssettag $0x1  }
0x1: {  	s0 =	srdreg.scid;
	s2 =	stileid.u32;
	v2 =	vimm.s32 $0x1700;
	vm0 =	vcmask $0x300  }
0x2: {  	v1 =	vlaneseq.u32;
	s0 =	sand.u32 $0x1, s0;
	s1 =	sshll.u32 s2, $0x1;
	v2 =	vsel vm0, $0x0, v2;
	vm0 =	vcmask $0x704  }
0x3: {  	vm1 =	vcmask $0x2F2C;
	s5 =	sshrl.u32 s2, $0x2;
	s3 =	sor.u32 s0, s1;
	v2 =	vsel vm0, $0x100, v2;
	vm0 =	vcmask $0xB08  }
0x4: {  	vm2 =	vcmask $0x3B38;
	s9 =	sshll.u32 s5, $0x4;
	s1 =	sshll.u32 s3, $0x1;
	v6 =	vsel vm0, $0x200, v2;
	vm0 =	vcmask $0xF0C  }
0x5: {  	s7 =	rddreg [dreg:$0x2];
	v3 =	vmul.u32 $0x80, v1;
	s10 =	ssub.s32 s1, s9;
	v6 =	vsel vm0, $0x300, v6;
	vm0 =	vcmask $0x1310  }
0x6: {  	s11 =	rddreg [dreg:$0x3];
	v7 =	vshrl.u32 v1, $0x3;
	v0 =	vmov s10;
	v6 =	vsel vm0, $0x400, v6  }
0x7: {  	s8 =	rddreg [dreg:$0x4];
	vm0 =	vcmask $0x1714;
	v4 =	vand.u32 $0xFFFFFF80, v0;
	v5 =	vand.u32 $0x7E, v0  }
0x8: {  	s12 =	rddreg [dreg:$0x7];
	s6 =	simm.s32 $0x0;
	v6 =	vsel vm0, $0x500, v6;
	vm0 =	vcmask $0x1B18;
	v3 =	vadd.s32 v3, v4  }
0x9: {  	s14 =	simm.s32 $0x80;
	s15 =	simm.s32 $0x900;
	s16 =	simm.s32 $0x980;
	v6 =	vsel vm0, $0x600, v6;
	vm0 =	vcmask $0x1F1C;
	v2 =	vor.u32 v5, v3  }
0xa: {  	s17 =	simm.s32 $0x2;
	s18 =	simm.s32 $0x1;
	s19 =	simm.s32 $0xA00;
	v5 =	vor.u32 $0x1, v5;
	v6 =	vsel vm0, $0x700, v6;
	vm0 =	vcmask $0x2320  }
0xb: {  	s20 =	simm.s32 $0x400;
	s22 =	simm.s32 $0x3;
	s2 =	rddreg [dreg:$0x1];
	v3 =	vor.u32 v5, v3;
	v8 =	vsel vm0, $0x1000, v6;
	vm0 =	vcmask $0x2724  }
0xc: {  	s23 =	simm.s32 $0x0;
	[smem:$0x7FF] =	sst s6;
	s0 =	ssub.s32 $0x2, s0;
	v4 =	vor.u32 v4, v5;
	v8 =	vsel vm0, $0x1100, v8;
	vm0 =	vcmask $0x2B28  }
.Ltmp0:
0xd: {  	s31 =	sshll.u32 s5, $0x8;
	s13 =	sshrl.u32 s0, $0x1;
	v5 =	vmov s5;
	v6 =	vor.u32 s10, v7;
	v8 =	vsel vm0, $0x1200, v8;
	(pc) =	sbr.rel .LBB2_1-.Ltmp0, $4  }
0xe: {  	s4 =	sadd.s32 s7, s9;
	s8 =	sadd.s32 s8, s31;
	s3 =	sshll.u32 s3, $0x4;
	v7 =	vand.u32 $0x7, v1;
	v9 =	vsel vm1, $0x1300, v8;
	vm1 =	vcmask $0x3330  }
0xf: {  	s1 =	rddreg [dreg:$0x0];
	_ =	strace $0x80000047;
	s0 =	ssub.s32 s0, s13;
	vm0 =	vmmov $0xff;
	v10 =	vsel vm1, $0x1400, v9;
	vm1 =	vcmask $0x3734  }
0x10: {  	[dreg:$0xa] =	wrdreg s4;
	s9 =	sadd.s32 s11, s9;
	s11 =	sadd.s32 s12, s3;
	v8 =	vor.u32 $0x8, v1;
	v9 =	vimm.s32 $0x0;
	v11 =	vsel vm1, $0x1500, v10  }
0x11: {  	s13 =	simm.s32 $0x100;
	s12 =	smax.u32 s0, $0x1;
	s10 =	smul.u32 $0x280000, s5;
	vm1 =	vmxor vm1, vm1;
	v10 =	vimm.f32 $0.0e+00;
	v11 =	vsel vm2, $0x1600, v11  }
.LBB2_9:
0x12: {  	v20 =	vimm.f32 $0.0e+00  }
.LBB2_23:
0x13: {  	v12 =	vmul.f32 v20, v12;
	s23 =	sadd.s32 $0x1, s23  }
0x14: {  	p0 =	sne.s32 s23, s12  }
.Ltmp1:
0x15: {  	s0 =	simm.s32 $0x2B00;
	[tilespmem:$0x2B00] =	vst v12;
	(pc) =	sbr.rel @!p0 .LBB2_24-.Ltmp1, $4  }
0x16: {  	[hbm4b:s11+s6] =	stream.linear.scatter [tilespmem:s0], [sflag:$0x3], $0x80, $0x38;
	[tilespmem:$0x2B80] =	vst v63  }
0x17: {  	_ =	swait.ge [sflag:s22], $0x80  }
0x18: {  	[sflag:s22] =	ssyncset.done $0x0  }
0x19: {  	[sflag:s22] =	ssyncadd.s32 $0xFFFFFF80  }
.LBB2_1:
0x1a: {  	s0 =	rddreg [dreg:$0xa]  }
0x1b: {  	[tilespmem:s6], [sflag:$0x2] =	stream.linear.gather [hbm4b:s0+s6], $0x80, $0x38;
	[tilespmem:$0x2B80] =	vst v63  }
0x1c: {  	_ = 	snop  }
0x1d: {  	[tilespmem:s13], [sflag:$0x2] =	stream.linear.gather [hbm4b:s8+s6], $0x800, $0x38;
	[tilespmem:$0x2B80] =	vst v63  }
0x1e: {  	_ = 	snop  }
0x1f: {  	[tilespmem:s14], [sflag:$0x1] =	stream.linear.gather [hbm4b:s9+s6], $0x80, $0x38;
	[tilespmem:$0x2B80] =	vst v63  }
0x20: {  	s25 =	rddreg [dreg:$0x5]  }
0x21: {  	[tilespmem:s15], [sflag:$0x1] =	stream.linear.gather [hbm4b:s25+s6], $0x4, $0x38;
	[tilespmem:$0x2B80] =	vst v63  }
0x22: {  	s26 =	rddreg [dreg:$0x6]  }
0x23: {  	[tilespmem:s16], [sflag:$0x1] =	stream.linear.gather [hbm4b:s26+s6], $0x4, $0x38;
	[tilespmem:$0x2B80] =	vst v63  }
0x24: {  	_ =	swait.ge [sflag:s17], $0x80  }
0x25: {  	[sflag:s17] =	ssyncset.done $0x0  }
0x26: {  	[sflag:s17] =	ssyncadd.s32 $0xFFFFFF80  }
0x27: {  	_ =	swait.ge [sflag:s17], $0x800  }
0x28: {  	[sflag:s17] =	ssyncset.done $0x0  }
0x29: {  	[sflag:s17] =	ssyncadd.s32 $0xFFFFF800  }
0x2a: {  	v12 =	vld.idx.msk [tilespmem:v0+s6+$0x0], $0xffff  }
0x2b: {  	v13 =	vld.idx.msk [tilespmem:v4+s6+$0x0], $0xffff;
	_ =	sdelay $0x3  }
0x2c: {  	(v2sf) =	vpush v12, $0x0  }
0x2d: {  	(v2sf) =	vpush v13, $0x0;
	_ =	sdelay $0xd  }
0x2e: {  	s28 =	spop (v2sf)  }
0x2f: {  	v14 =	vld.idx.msk [tilespmem:v3+s13+$0x0], $0xffff;
	[dreg:$0x9] =	wrdreg s28;
	s26 =	spop (v2sf)  }
0x30: {  	v12 =	vld.idx.msk [tilespmem:v2+s13+$0x0], $0xffff;
	_ =	swait.ge [sflag:s18], $0x80  }
0x31: {  	[sflag:s18] =	ssyncset.done $0x0  }
0x32: {  	[sflag:s18] =	ssyncadd.s32 $0xFFFFFF80  }
0x33: {  	_ =	swait.ge [sflag:s18], $0x4  }
0x34: {  	[sflag:s18] =	ssyncset.done $0x0  }
0x35: {  	[sflag:s18] =	ssyncadd.s32 $0xFFFFFFFC  }
0x36: {  	_ =	swait.ge [sflag:s18], $0x4  }
0x37: {  	[sflag:s18] =	ssyncset.done $0x0  }
0x38: {  	[sflag:s18] =	ssyncadd.s32 $0xFFFFFFFC  }
0x39: {  	v13 =	vld.idx.msk [tilespmem:v5+s16+$0x0], $0xffff;
	_ =	sdelay $0x3  }
0x3a: {  	v15 =	vld [tilespmem:$0x980]  }
0x3b: {  	v16 =	vld.idx.msk [tilespmem:v0+s14+$0x0], $0xffff;
	(v2sf) =	vpush v13, $0x0  }
0x3c: {  	v17 =	vld.idx.msk [tilespmem:v4+s14+$0x0], $0xffff;
	_ =	sdelay $0x1  }
0x3d: {  	v18 =	vld.idx.msk [tilespmem:v5+s15+$0x0], $0xffff  }
0x3e: {  	(v2sf) =	vpush v15, $0x0  }
0x3f: {  	v19 =	vperm.xlane v14, v7;
	v14 =	vperm.xlane v14, v8;
	(v2sf) =	vpush v15, $0x1  }
0x40: {  	v16 =	vbroadcast v16, $0x0;
	v17 =	vbroadcast v17, $0x0;
	(v2sf) =	vpush v15, $0x2  }
0x41: {  	(v2sf) =	vpush v15, $0x3;
	v15 =	vperm.xlane v12, v7;
	v12 =	vperm.xlane v12, v8  }
0x42: {  	v18 =	vbroadcast v18, $0x0  }
0x43: {  	v15 =	vsel vm0, v15, v19;
	v14 =	vsel vm0, v12, v14;
	v12 =	vsel vm0, v16, v17  }
0x44: {  	vm3 =	vlt.s32 v6, v18;
	vm2 =	vgt.s32 v12, v7;
	v12 =	vor.u32 v15, v14  }
0x45: {  	vm2 =	vmand vm3, vm2;
	vm3 =	vne.s32 v12, $0x0  }
0x46: {  	vm2 =	vmand vm3, vm2  }
0x47: {  	v12 =	vmpcnt.ones.xlane vm2;
	_ =	sdelay $0x1  }
0x48: {  	s25 =	spop (v2sf);
	(v2sf) =	vpush v12, $0x0;
	_ =	sdelay $0x3  }
0x49: {  	s29 =	spop (v2sf)  }
0x4a: {  	s3 =	spop (v2sf)  }
0x4b: {  	s0 =	sadd.s32 s3, s29;
	s30 =	spop (v2sf)  }
0x4c: {  	s0 =	sadd.s32 s30, s0;
	s31 =	spop (v2sf)  }
0x4d: {  	s0 =	sadd.s32 s31, s0  }
0x4e: {  	s0 =	scvt.s32.f32 s0;
	_ =	sdelay $0x1  }
0x4f: {  	v12 =	vmov s0  }
0x50: {  	(erf) = vrcp.f32 v12;
	_ =	sdelay $0x2  }
0x51: {  	s24 =	spop (v2sf)  }
0x52: {  	p0 =	slt.s32 s24, $0x1  }
.Ltmp2:
0x53: {  	_ = 	snop;
	(pc) =	sbr.rel @p0 .LBB2_7-.Ltmp2, $2  }
0x54: {  	_ =	sdelay $0x2  }
0x55: {  	[tilespmem:s19+$0x0] =	vst.msk vm2, v1;
	v12 =	vpop (erf)  }
0x56: {  	p2 =	sne.s32 s24, $0x1  }
.Ltmp3:
0x57: {  	_ = 	snop;
	(pc) =	sbr.rel @!p2 .LBB2_3-.Ltmp3, $2  }
0x58: {  	_ =	sdelay $0x2  }
0x59: {  	s5 =	simm.s32 $0x1;
	v16 =	vmov s6;
	p1 =	por $0x0, $0x0  }
0x5a: {  	_ =	sdelay $0x3  }
0x5b: {  	v16 =	vld.idx.msk [tilespmem:v16+s19+$0x0], $0xffff;
	_ =	sdelay $0x4  }
0x5c: {  	(v2sf) =	vpush v16, $0x0;
	v17 =	vperm.xlane v15, v16  }
0x5d: {  	v18 =	vperm.xlane v14, v16  }
0x5e: {  	(v2sf) =	vpush v17, $0x0  }
0x5f: {  	(v2sf) =	vpush v18, $0x0;
	_ =	sdelay $0x2  }
0x60: {  	v16 =	vperm.xlane v11, v16;
	_ =	sdelay $0x1  }
0x61: {  	(v2sf) =	vpush v16, $0x0;
	_ =	sdelay $0x6  }
0x62: {  	s0 =	rddreg [dreg:$0x9];
	s3 =	spop (v2sf)  }
0x63: {  	p2 =	sne.s32 s24, $0x2;
	p1 =	slt.s32 s3, $0x8;
	s3 =	smov.u32 s26  }
0x64: {  	s3 =	smov.u32 @p1 s0;
	s30 =	spop (v2sf);
	p1 =	por $0x1, $0x1  }
0x65: {  	s3 =	smul.u32 $0x2800, s3;
	s28 =	sshll.u32 s30, $0x8;
	s29 =	spop (v2sf)  }
0x66: {  	s0 =	sshll.u32 s30, $0x7;
	s30 =	sshll.u32 s29, $0x8;
	s28 =	sand.u32 $0xFFFFF800, s28  }
0x67: {  	s0 =	sand.u32 $0x380, s0;
	s3 =	sadd.s32 s10, s3;
	s30 =	sand.u32 $0xFFFFF800, s30  }
0x68: {  	s29 =	sshll.u32 s29, $0x7;
	s28 =	sadd.s32 s28, s3;
	s3 =	sadd.s32 s30, s3  }
.Ltmp4:
0x69: {  	s0 =	sor.u32 s0, s28;
	s28 =	sand.u32 $0x380, s29;
	(pc) =	sbr.rel @!p2 .LBB2_6-.Ltmp4, $4  }
0x6a: {  	v16 =	vmov s5;
	s31 =	spop (v2sf);
	s0 =	sshrl.u32 s0, $0x3;
	s3 =	sor.u32 s28, s3  }
0x6b: {  	s28 =	sadd.s32 $0xA80, s31;
	s0 =	sadd.s32 s1, s0;
	s3 =	sshrl.u32 s3, $0x3  }
0x6c: {  	[tilespmem:s28], [sflag:$0x1] =	stream.strided.gather [hbm4b:s0+s14], $0x100, s20, s14, $0x38;
	[tilespmem:$0x2B80] =	vst v63  }
0x6d: {  	s28 =	simm.s32 $0x2;
	s0 =	sadd.s32 $0x1280, s31;
	s3 =	sadd.s32 s2, s3  }
.LBB2_5:
0x6e: {  	[tilespmem:s0], [sflag:$0x1] =	stream.strided.gather [hbm4b:s3+s14], $0x100, s20, s14, $0x38;
	[tilespmem:$0x2B80] =	vst v63  }
0x6f: {  	v16 =	vld.idx.msk [tilespmem:v16+s19+$0x0], $0xffff;
	_ =	sdelay $0x4  }
0x70: {  	v17 =	vperm.xlane v15, v16;
	(v2sf) =	vpush v16, $0x0  }
0x71: {  	v18 =	vperm.xlane v14, v16  }
0x72: {  	(v2sf) =	vpush v17, $0x0  }
0x73: {  	(v2sf) =	vpush v18, $0x0;
	_ =	sdelay $0x2  }
0x74: {  	v16 =	vperm.xlane v11, v16;
	_ =	sdelay $0x1  }
0x75: {  	(v2sf) =	vpush v16, $0x0;
	_ =	sdelay $0x6  }
0x76: {  	s21 =	smov.u32 s28;
	s28 =	sadd.s32 $0x1, s28;
	s5 =	spop (v2sf)  }
0x77: {  	s3 =	rddreg [dreg:$0x9];
	p3 =	slt.s32 s5, $0x8;
	s5 =	smov.u32 s26  }
0x78: {  	p2 =	sne.s32 s24, s28;
	s5 =	smov.u32 @p3 s3;
	s31 =	spop (v2sf)  }
0x79: {  	s5 =	smul.u32 $0x2800, s5;
	s29 =	sshll.u32 s31, $0x8;
	s30 =	spop (v2sf)  }
0x7a: {  	s3 =	sshll.u32 s31, $0x7;
	s31 =	sshll.u32 s30, $0x8;
	s30 =	sshll.u32 s30, $0x7  }
0x7b: {  	s29 =	sand.u32 $0xFFFFF800, s29;
	s3 =	sand.u32 $0x380, s3;
	s5 =	sadd.s32 s10, s5  }
0x7c: {  	s31 =	sand.u32 $0xFFFFF800, s31;
	s4 =	sand.u32 $0x380, s30;
	s29 =	sadd.s32 s29, s5  }
.Ltmp5:
0x7d: {  	s5 =	sadd.s32 s31, s5;
	s3 =	sor.u32 s3, s29;
	(pc) =	sbr.rel @p2 .LBB2_5-.Ltmp5, $4  }
0x7e: {  	v16 =	vmov s21;
	s30 =	spop (v2sf);
	s21 =	sor.u32 s4, s5;
	s7 =	sshrl.u32 s3, $0x3  }
0x7f: {  	s31 =	sadd.s32 $0xA80, s30;
	s3 =	sshrl.u32 s21, $0x3;
	s0 =	sadd.s32 s1, s7  }
0x80: {  	[tilespmem:s31], [sflag:$0x1] =	stream.strided.gather [hbm4b:s0+s14], $0x100, s20, s14, $0x38;
	[tilespmem:$0x2B80] =	vst v63  }
0x81: {  	s3 =	sadd.s32 s2, s3;
	s0 =	sadd.s32 $0x1280, s30  }
.LBB2_6:
0x82: {  	_ =	sdelay $0x2  }
0x83: {  	[tilespmem:s0], [sflag:$0x1] =	stream.strided.gather @p1 [hbm4b:s3+s14], $0x100, s20, s14, $0x38;
	[tilespmem:$0x2B80] =	vst v63  }
0x84: {  	v16 =	vld.idx.msk [tilespmem:v16+s19+$0x0], $0xffff;
	_ =	sdelay $0x4  }
0x85: {  	v17 =	vperm.xlane v15, v16;
	(v2sf) =	vpush v16, $0x0  }
0x86: {  	v18 =	vperm.xlane v14, v16  }
0x87: {  	(v2sf) =	vpush v17, $0x0  }
0x88: {  	(v2sf) =	vpush v18, $0x0;
	_ =	sdelay $0x2  }
0x89: {  	v16 =	vperm.xlane v11, v16;
	_ =	sdelay $0x1  }
0x8a: {  	(v2sf) =	vpush v16, $0x0;
	_ =	sdelay $0x6  }
0x8b: {  	s31 =	spop (v2sf)  }
0x8c: {  	s0 =	rddreg [dreg:$0x9];
	p1 =	slt.s32 s31, $0x8  }
0x8d: {  	s26 =	smov.u32 @p1 s0;
	s4 =	spop (v2sf)  }
0x8e: {  	s7 =	smul.u32 $0x2800, s26;
	s5 =	spop (v2sf)  }
0x8f: {  	s21 =	sshll.u32 s4, $0x8;
	s0 =	sshll.u32 s4, $0x7;
	s28 =	sshll.u32 s5, $0x8  }
0x90: {  	s5 =	sshll.u32 s5, $0x7;
	s26 =	sand.u32 $0xFFFFF800, s21;
	s3 =	sadd.s32 s10, s7  }
0x91: {  	s0 =	sand.u32 $0x380, s0;
	s28 =	sand.u32 $0xFFFFF800, s28;
	s26 =	sadd.s32 s26, s3  }
0x92: {  	s5 =	sand.u32 $0x380, s5;
	s3 =	sadd.s32 s28, s3;
	s0 =	sor.u32 s0, s26  }
0x93: {  	s29 =	spop (v2sf);
	s3 =	sor.u32 s5, s3;
	s0 =	sshrl.u32 s0, $0x3  }
0x94: {  	s30 =	sadd.s32 $0xA80, s29;
	s3 =	sshrl.u32 s3, $0x3;
	s0 =	sadd.s32 s1, s0  }
0x95: {  	[tilespmem:s30], [sflag:$0x1] =	stream.strided.gather [hbm4b:s0+s14], $0x100, s20, s14, $0x38;
	[tilespmem:$0x2B80] =	vst v63  }
0x96: {  	s31 =	sadd.s32 $0x1280, s29;
	s3 =	sadd.s32 s2, s3  }
0x97: {  	[tilespmem:s31], [sflag:$0x1] =	stream.strided.gather [hbm4b:s3+s14], $0x100, s20, s14, $0x38;
	[tilespmem:$0x2B80] =	vst v63  }
.LBB2_7:
0x98: {  	s0 =	sshll.u32 s24, $0x1  }
0x99: {  	p1 =	sgt.s32 s0, $0x0  }
.Ltmp6:
0x9a: {  	_ = 	snop;
	(pc) =	sbr.rel @!p1 .LBB2_8-.Ltmp6, $1  }
0x9b: {  	_ =	sdelay $0x3  }
0x9c: {  	p1 =	seq.s32 s0, $0x1  }
.Ltmp7:
0x9d: {  	_ = 	snop;
	(pc) =	sbr.rel @p1 .LBB2_12-.Ltmp7, $3  }
0x9e: {  	_ =	sdelay $0x1  }
0x9f: {  	_ =	swait.ge [sflag:s18], $0x100  }
0xa0: {  	s0 =	sadd.s32 $0xFFFFFFFF, s0;
	[sflag:s18] =	ssyncset.done $0x0  }
.LBB2_11:
0xa1: {  	p1 =	seq.s32 s0, $0x1;
	s0 =	sadd.s32 $0xFFFFFFFF, s0;
	[sflag:s18] =	ssyncadd.s32 $0xFFFFFF00  }
.Ltmp8:
0xa2: {  	(pc) =	sbr.rel @!p1 .LBB2_11-.Ltmp8, $3  }
0xa3: {  	_ =	sdelay $0x1  }
0xa4: {  	_ =	swait.ge [sflag:s18], $0x100  }
0xa5: {  	[sflag:s18] =	ssyncset.done $0x0  }
.LBB2_12:
0xa6: {  	[sflag:s18] =	ssyncadd.s32 $0xFFFFFF00  }
.LBB2_8:
.Ltmp9:
0xa7: {  	(pc) =	sbr.rel @p0 .LBB2_9-.Ltmp9, $1  }
0xa8: {  	_ =	sdelay $0x3  }
0xa9: {  	s0 =	sand.u32 $0xF, s25  }
0xaa: {  	s3 =	sshra.s32 s25, $0x1F;
	p0 =	slt.s32 s25, $0x1;
	p1 =	sne.s32 s0, $0x0  }
0xab: {  	s5 =	sshrl.u32 s3, $0x1C;
	p0 =	por !p0, !p1  }
0xac: {  	s3 =	simm.s32 $0x1;
	s0 =	sadd.s32 s5, s25;
	p0 =	por !p0, !p0  }
0xad: {  	s0 =	sshra.s32 s0, $0x4;
	s3 =	simm.s32 @!p0 $0x0  }
0xae: {  	s0 =	ssub.s32 s0, s3  }
0xaf: {  	s3 =	sand.u32 $0x1, s0  }
0xb0: {  	p5 =	slt.s32 s0, $0x1;
	p6 =	seq.s32 s3, $0x1  }
0xb1: {  	s7 =	sshrl.u32 s0, $0x1F;
	p0 =	por !p5, !p6  }
0xb2: {  	s5 =	simm.s32 $0x1;
	s3 =	sadd.s32 s7, s0;
	p0 =	por !p0, !p0  }
0xb3: {  	s3 =	sshra.s32 s3, $0x1;
	s5 =	simm.s32 @!p0 $0x0  }
0xb4: {  	p0 =	sgt.s32 s0, $0x1;
	s26 =	ssub.s32 s3, s5;
	s3 =	smov.u32 s0  }
0xb5: {  	vm3 =	vne.s32 v15, $0x0;
	s28 =	sshll.u32 s0, $0x4;
	s3 =	simm.s32 @!p0 $0x1;
	s5 =	sshll.u32 s26, $0x1  }
.Ltmp10:
0xb6: {  	v16 =	vbroadcast v13, $0x0;
	v15 =	vsel vm3, $0x3F800000, v9;
	vm3 =	vmmov vm1;
	p0 =	sne.s32 s25, s28;
	s3 =	sshll.u32 s3, $0x4;
	(pc) =	sbr.rel .LBB2_14-.Ltmp10, $4  }
0xb7: {  	vm4 =	vne.s32 v14, $0x0;
	v20 =	vimm.f32 $0.0e+00;
	s21 =	sand.u32 $0x70, s28;
	s0 =	ssub.s32 s0, s5;
	vm3 =	vmneg @p0 vm3;
	s25 =	sadd.s32 $0xFFFFFFF0, s3  }
0xb8: {  	v13 =	vsel vm4, $0x3F800000, v9;
	v14 =	vor.u32 s28, v1;
	s31 =	sor.u32 $0xA80, s21;
	s0 =	scvt.s32.f32 s0;
	vm2 =	vmand vm2, vm3;
	s3 =	sand.u32 $0x70, s25  }
0xb9: {  	v19 =	vmov s31;
	vm3 =	vlt.s32 v14, v16;
	v14 =	vsel vm2, $0x3F800000, v10;
	s3 =	sor.u32 $0xA80, s3  }
0xba: {  	s29 =	simm.s32 $0x0;
	s30 =	simm.s32 $0x0;
	p0 =	slt.s32 s26, $0x1;
	v16 =	vsel vm3, $0x3F800000, v9;
	v17 =	vmov s0;
	v18 =	vmov s3  }
.LBB2_16:
0xbb: {  	v28 =	vmov v20  }
.LBB2_21:
0xbc: {  	v25 =	vld [tilespmem:s5+$0xA90];
	_ =	sdelay $0x1  }
0xbd: {  	v26 =	vand.u32 @p1 $0x7FFFFFFF, v32;
	v29 =	vsub.f32 @p1 v29, v31  }
0xbe: {  	v62 =	vmul.f32 v30, v22;
	v26 =	vadd.f32 @p1 v26, v28;
	v24 =	vmul.f32 v24, v23  }
0xbf: {  	v27 =	vmul.f32 v27, v22;
	v29 =	vand.u32 @p1 $0x7FFFFFFF, v29  }
0xc0: {  	v26 =	vadd.f32 @p1 v29, v26;
	v24 =	vsub.f32 v62, v24;
	v25 =	vmul.f32 v25, v23;
	_ =	sdelay $0x1  }
0xc1: {  	v20 =	vpsel p1, v26, v20;
	v24 =	vand.u32 $0x7FFFFFFF, v24;
	v25 =	vsub.f32 v27, v25  }
0xc2: {  	v20 =	vadd.f32 v24, v20  }
0xc3: {  	v63 =	vand.u32 $0x7FFFFFFF, v25  }
0xc4: {  	v20 =	vadd.f32 v63, v20  }
.LBB2_22:
0xc5: {  	_ =	sdelay $0x1  }
0xc6: {  	s0 =	sadd.s32 $0x800, s31;
	s3 =	sadd.s32 s25, s31  }
0xc7: {  	s3 =	sand.u32 $0xFFFFFF80, s3;
	s4 =	sadd.s32 s25, s0  }
0xc8: {  	s21 =	sadd.s32 s28, s31;
	v24 =	vld.idx.msk [tilespmem:v18+s3+$0x0 ss:$0x1], $0xffff;
	s7 =	sand.u32 $0xFFFFFF80, s4  }
0xc9: {  	s31 =	sand.u32 $0xFFFFFF80, s21;
	s0 =	sadd.s32 s28, s0;
	v25 =	vld.idx.msk [tilespmem:v18+s7+$0x0 ss:$0x1], $0xffff  }
0xca: {  	v26 =	vld.idx.msk [tilespmem:v19+s31+$0x0 ss:$0x1], $0xffff;
	s0 =	sand.u32 $0xFFFFFF80, s0  }
0xcb: {  	v27 =	vld.idx.msk [tilespmem:v19+s0+$0x0 ss:$0x1], $0xffff;
	_ =	sdelay $0x2  }
0xcc: {  	v24 =	vmul.f32 v24, v22;
	v25 =	vmul.f32 v25, v23  }
0xcd: {  	v21 =	vperm.xlane v14, v21  }
0xce: {  	v22 =	vmul.f32 v26, v22;
	v23 =	vmul.f32 v27, v23;
	v24 =	vsub.f32 v24, v25  }
0xcf: {  	v21 =	vbroadcast v21, $0x0  }
0xd0: {  	s30 =	sadd.s32 $0x1, s30;
	v22 =	vsub.f32 v22, v23;
	v24 =	vand.u32 $0x7FFFFFFF, v24  }
0xd1: {  	p1 =	sne.s32 s30, s24;
	v21 =	vmul.f32 v16, v21;
	v23 =	vmul.f32 v24, v17  }
.Ltmp11:
0xd2: {  	v22 =	vand.u32 $0x7FFFFFFF, v22;
	(pc) =	sbr.rel @!p1 .LBB2_23-.Ltmp11, $2  }
0xd3: {  	v21 =	vmul.f32 v22, v21;
	v20 =	vadd.f32 v23, v20;
	_ =	sdelay $0x1  }
0xd4: {  	v20 =	vadd.f32 v21, v20;
	_ =	sdelay $0x1  }
.LBB2_14:
0xd5: {  	v21 =	vmov s30;
	_ =	sdelay $0x4  }
0xd6: {  	v21 =	vld.idx.msk [tilespmem:v21+s19+$0x0], $0xffff;
	_ =	sdelay $0x4  }
0xd7: {  	v22 =	vperm.xlane v11, v21;
	_ =	sdelay $0x1  }
0xd8: {  	(v2sf) =	vpush v22, $0x0;
	_ =	sdelay $0xa  }
.Ltmp12:
0xd9: {  	_ = 	snop;
	(pc) =	sbr.rel @p0 .LBB2_22-.Ltmp12, $3  }
0xda: {  	_ = 	snop  }
0xdb: {  	v23 =	vperm.xlane v13, v21;
	v22 =	vperm.xlane v15, v21;
	_ =	sdelay $0x1  }
0xdc: {  	v23 =	vbroadcast v23, $0x0;
	v22 =	vbroadcast v22, $0x0;
	s31 =	spop (v2sf)  }
0xdd: {  	s0 =	sadd.s32 s29, s31;
	s5 =	sand.u32 $0x60, s29;
	p2 =	sne.s32 s26, $0x1  }
.Ltmp13:
0xde: {  	s3 =	sand.u32 $0xFFFFFF80, s0;
	s0 =	sadd.s32 $0x800, s0;
	(pc) =	sbr.rel @!p2 .LBB2_16-.Ltmp13, $4  }
0xdf: {  	s3 =	sor.u32 s5, s3;
	s0 =	sand.u32 $0xFFFFFF80, s0  }
0xe0: {  	v30 =	vld [tilespmem:s3+$0xA80];
	s5 =	sor.u32 s5, s0  }
0xe1: {  	v24 =	vld [tilespmem:s5+$0xA80]  }
0xe2: {  	p1 =	por $0x0, $0x0;
	s0 =	sadd.s32 $0xFFFFFFFF, s26;
	v27 =	vld [tilespmem:s3+$0xA90];
	s3 =	sadd.s32 $0x20, s29  }
0xe3: {  	s4 =	sadd.s32 s3, s31;
	v28 =	vld [tilespmem:s5+$0xA90];
	s21 =	sand.u32 $0x60, s3;
	p2 =	sne.s32 s0, $0x1  }
.Ltmp14:
0xe4: {  	s7 =	sand.u32 $0xFFFFFF80, s4;
	s4 =	sadd.s32 $0x800, s4;
	(pc) =	sbr.rel @!p2 .LBB2_18-.Ltmp14, $4  }
0xe5: {  	s7 =	sor.u32 s21, s7;
	s4 =	sand.u32 $0xFFFFFF80, s4  }
0xe6: {  	v30 =	vmul.f32 v30, v22;
	v25 =	vld [tilespmem:s7+$0xA80];
	s5 =	sor.u32 s21, s4;
	v32 =	vmul.f32 v24, v23  }
0xe7: {  	v24 =	vld [tilespmem:s5+$0xA80]  }
0xe8: {  	s0 =	sadd.s32 $0xFFFFFFFF, s0;
	s3 =	sadd.s32 $0x20, s3;
	p1 =	por $0x1, $0x1;
	v26 =	vld [tilespmem:s7+$0xA90];
	v29 =	vmul.f32 v27, v22;
	v31 =	vmul.f32 v28, v23;
	v32 =	vsub.f32 v30, v32;
	v28 =	vmovc v20  }
.LBB2_19:
0xe9: {  	s4 =	sadd.s32 s3, s31  }
0xea: {  	p2 =	sne.s32 s0, $0x1;
	s0 =	sadd.s32 $0xFFFFFFFF, s0;
	v27 =	vld [tilespmem:s5+$0xA90];
	s7 =	sand.u32 $0x60, s3  }
.Ltmp15:
0xeb: {  	s5 =	sand.u32 $0xFFFFFF80, s4;
	s4 =	sadd.s32 $0x800, s4;
	v30 =	vand.u32 $0x7FFFFFFF, v32;
	v29 =	vsub.f32 v29, v31;
	(pc) =	sbr.rel @p2 .LBB2_19-.Ltmp15, $4  }
0xec: {  	s21 =	sor.u32 s7, s5;
	s4 =	sand.u32 $0xFFFFFF80, s4;
	v28 =	vadd.f32 v30, v28  }
0xed: {  	v30 =	vmul.f32 v25, v22;
	s5 =	sor.u32 s7, s4;
	v25 =	vld [tilespmem:s21+$0xA80];
	v32 =	vmul.f32 v24, v23;
	v29 =	vand.u32 $0x7FFFFFFF, v29  }
0xee: {  	v24 =	vld [tilespmem:s5+$0xA80];
	v28 =	vadd.f32 v29, v28  }
0xef: {  	s3 =	sadd.s32 $0x20, s3;
	v29 =	vmul.f32 v26, v22;
	v26 =	vld [tilespmem:s21+$0xA90];
	v31 =	vmul.f32 v27, v23;
	v32 =	vsub.f32 v30, v32  }
.Ltmp16:
0xf0: {  	_ = 	snop;
	(pc) =	sbr.rel .LBB2_21-.Ltmp16, $2  }
0xf1: {  	_ =	sdelay $0x2  }
0xf2: {  	v30 =	vmov v25;
	v27 =	vmov v26  }
.LBB2_18:
.Ltmp17:
0xf3: {  	_ = 	snop;
	(pc) =	sbr.rel .LBB2_21-.Ltmp17, $2  }
0xf4: {  	_ =	sdelay $0x2  }
0xf5: {  	v28 =	vmov v20;
	v30 =	vmov v25;
	v27 =	vmov v26  }
.LBB2_3:
.Ltmp18:
0xf6: {  	(pc) =	sbr.rel .LBB2_6-.Ltmp18, $2  }
0xf7: {  	_ =	sdelay $0x2  }
0xf8: {  	_ = 	snop  }
.LBB2_24:
0xf9: {  	_ =	sfence.sel $0x180000  }
0xfa: {  	[bflag:$0x0] =	sbarrier.arrive $0xFFFF  }
0xfb: {  	_ =	strace $0x90000047  }
0xfc: {  	s0 =	stileid.u32;
	[bflag:$0x2] =	sbarrier.arrive $0xFFFF  }
0xfd: {  	p0 =	sne.s32 s0, $0x0;
	s0 =	rddreg [dreg:$0x8]  }
0xfe: {  	s0 =	sadd.s32 @!p0 $0x100000, s0  }
0xff: {  	[sflag:s0] =	ssyncadd.tile.s32 @!p0 $0x1;
	_ =	shalt  }
.Lfunc_end2:
_tile_overlayer_lowered:
.L_overlay_start_2:
0x100: {  	(tag) =	ssettag $0x2  }
0x101: {  	s0 =	rddreg [dreg:$0x0];
	s2 =	stileid.u32  }
0x102: {  	s1 =	rddreg [dreg:$0x1];
	p0 =	sne.s32 s2, $0x0  }
0x103: {  	s3 =	rddreg [dreg:$0x2];
	[bflag:$0x3] =	sbarrier.arrive $0xFFFF;
	s2 =	simm.s32 @!p0 $0x1C03  }
0x104: {  	[timem:s3], [sflag:s2] =	dma.local @!p0 [hbm:s0], s1  }
0x105: {  	s0 =	simm.s32 @!p0 $0x3  }
0x106: {  	_ =	swait.ge @!p0 [sflag:s0], s1  }
0x107: {  	s1 =	ssub.s32 @!p0 $0x0, s1;
	[sflag:s0] =	ssyncset.done @!p0 $0x0  }
0x108: {  	[sflag:s0] =	ssyncadd.s32 @!p0 s1  }
0x109: {  	[bflag:$0x3] =	sbarrier.arrive $0xFFFF  }
0x10a: {  	_ =	shalt  }

</sc_bundles>
